<compile_context>
chip_gen: v7x
topology: tpu7x:2x2x1
jax: 0.10.2.dev20260603
libtpu: 0.0.44.dev20260713+nightly
codegen_flags: <defaults>
</compile_context>

<pallas_src>
import functools
import math

import jax
import jax.numpy as jnp
from jax import lax
from jax.experimental import pallas as pl
from jax.experimental.pallas import tpu as pltpu
from jax.experimental.pallas import tpu_sc as plsc

D_MODEL = 64
SCALE = math.sqrt(D_MODEL)

NUM_CORES = 2
NUM_SUBCORES = 16
NUM_WORKERS = NUM_CORES * NUM_SUBCORES
NBUF = 4
LANES = 16
ROWS_PER_IT = 4


def _embed_lookup(idx_flat, table, n_rows, seq):
    rows_per_w = n_rows // NUM_WORKERS
    n_groups = rows_per_w // NBUF
    mesh = plsc.VectorSubcoreMesh(core_axis_name="c", subcore_axis_name="s")

    @functools.partial(
        pl.kernel,
        mesh=mesh,
        out_type=jax.ShapeDtypeStruct((n_rows, seq, D_MODEL), jnp.float32),
        scratch_types=[
            pltpu.VMEM((rows_per_w * seq,), jnp.int32),
            pltpu.VMEM((NBUF, seq, D_MODEL), jnp.float32),
            [pltpu.SemaphoreType.DMA] * NBUF,
            pltpu.SemaphoreType.DMA,
        ],
        compiler_params=pltpu.CompilerParams(
            use_tc_tiling_on_sc=False, needs_layout_passes=True
        ),
    )
    def body(x_hbm, table_hbm, out_hbm, idx_v, rows_v, sem_g, sem_s):
        wid = lax.axis_index("s") * NUM_CORES + lax.axis_index("c")
        base = wid * rows_per_w
        pltpu.sync_copy(x_hbm.at[pl.ds(base * seq, rows_per_w * seq)], idx_v)

        def group_body(g, carry):
            r0 = g * NBUF
            gather_handles = [
                pltpu.async_copy(
                    table_hbm.at[idx_v.at[pl.ds((r0 + b) * seq, seq)]],
                    rows_v.at[b],
                    sem_g[b],
                )
                for b in range(NBUF)
            ]
            out_handles = []
            for b in range(NBUF):
                gather_handles[b].wait()

                def scale_body(r, c, b=b):
                    for k in range(ROWS_PER_IT):
                        for j in range(D_MODEL // LANES):
                            sl = pl.ds(j * LANES, LANES)
                            row = r * ROWS_PER_IT + k
                            rows_v[b, row, sl] = rows_v[b, row, sl] * SCALE
                    return c

                lax.fori_loop(0, seq // ROWS_PER_IT, scale_body, 0)
                out_handles.append(
                    pltpu.async_copy(
                        rows_v.at[b], out_hbm.at[base + r0 + b], sem_s
                    )
                )
            for h in out_handles:
                h.wait()
            return carry

        lax.fori_loop(0, n_groups, group_body, 0)

    return body(idx_flat, table)


def kernel(x, table):
    s0, s1 = x.shape
    xf = lax.bitcast_convert_type(x, jnp.float32)
    flat = xf.reshape(s0 * s1)
    idx_flat = lax.bitcast_convert_type(flat, jnp.int32)
    return _embed_lookup(idx_flat, table, s0, s1)

# --- scband reference (transcript-rebuilt; emitter-appended) ---
"""Pipeline reference for scband-embeddings-38019050504425 (READ-ONLY COPY).

The authoritative reference and input builder live on the scoring server;
editing this copy changes nothing except your own understanding.
"""

import jax, jax.numpy as jnp
import numpy as np
import math

D_MODEL = 64
VOCAB = 1000000

def setup_inputs(seed: int = 0) -> dict:
    key = jax.random.key(seed)
    k1, k2 = jax.random.split(key)
    x = jax.random.randint(k1, (4096, 200), 0, VOCAB, dtype=jnp.int64 if jax.config.jax_enable_x64 else jnp.int32)
    table = jax.random.normal(k2, (VOCAB, D_MODEL), dtype=jnp.float32)
    return {"x": x, "table": table}

def reference(x, table):
    # Embeddings.forward: self.embed(x) * sqrt(d_model)
    out = jnp.take(table, x, axis=0) * math.sqrt(D_MODEL)
    return out

if __name__ == "__main__":
    import jax
    _d = setup_inputs()
    print(jax.jit(kernel)(*tuple(_d.values())))

</pallas_src>

<mosaic_0001>
#map = affine_map<(d0, d1) -> (0)>
#map1 = affine_map<(d0, d1) -> (0, 0)>
#map2 = affine_map<(d0, d1) -> (0, 0, 0)>
module attributes {stable_mosaic.version = 14 : i64} {
  func.func @body(%arg0: i32, %arg1: i32, %arg2: memref<819200xi32, #tpu.memory_space<hbm>>, %arg3: memref<1000000x64xf32, #tpu.memory_space<hbm>>, %arg4: memref<4096x200x64xf32, #tpu.memory_space<hbm>>, %arg5: memref<25600xi32, #tpu.memory_space<vmem>>, %arg6: memref<4x200x64xf32, #tpu.memory_space<vmem>>, %arg7: memref<!tpu.dma_semaphore, #tpu.memory_space<semaphore_mem>>, %arg8: memref<!tpu.dma_semaphore, #tpu.memory_space<semaphore_mem>>, %arg9: memref<!tpu.dma_semaphore, #tpu.memory_space<semaphore_mem>>, %arg10: memref<!tpu.dma_semaphore, #tpu.memory_space<semaphore_mem>>, %arg11: memref<!tpu.dma_semaphore, #tpu.memory_space<semaphore_mem>>) attributes {dimension_semantics = [#tpu.dimension_semantics<core_parallel>, #tpu.dimension_semantics<subcore_parallel>], iteration_bounds = array<i64: 2, 16>, scalar_prefetch = 0 : i64, scratch_operands = 7 : i64, tpu.core_type = #tpu.core_type<sc_vector_subcore>, window_params = [{transform_indices = #map}, {transform_indices = #map1}, {transform_indices = #map2}]} {
    %mul3A = arith.constant 2 : i32
    %mul3A_0 = arith.muli %arg1, %mul3A : i32
    %add3A = arith.addi %mul3A_0, %arg0 : i32
    %mul3A_1 = arith.constant 128 : i32
    %mul3A_2 = arith.muli %add3A, %mul3A_1 : i32
    %mul3A_3 = arith.constant 200 : i32
    %mul3A_4 = arith.muli %mul3A_2, %mul3A_3 : i32
    "tpu.region"() ({
      %run_scoped3A = tpu.sem_alloc : memref<!tpu.dma_semaphore, #tpu.memory_space<semaphore_mem>>
      %dma_start3A = tpu.memref_slice %arg2[%mul3A_4] : memref<819200xi32, #tpu.memory_space<hbm>> -> memref<25600xi32, #tpu.memory_space<hbm>>
      %dma_start3A_10 = tpu.memref_slice %arg2[%mul3A_4] : memref<819200xi32, #tpu.memory_space<hbm>> -> memref<25600xi32, #tpu.memory_space<hbm>>
      tpu.enqueue_dma source(%dma_start3A_10 : memref<25600xi32, #tpu.memory_space<hbm>>) target(%arg5 : memref<25600xi32, #tpu.memory_space<vmem>>) target_semaphore(%run_scoped3A : memref<!tpu.dma_semaphore, #tpu.memory_space<semaphore_mem>>)
      %dma_wait3A = tpu.memref_slice %arg2[%mul3A_4] : memref<819200xi32, #tpu.memory_space<hbm>> -> memref<25600xi32, #tpu.memory_space<hbm>>
      %dma_wait3A_11 = tpu.memref_slice %arg2[%mul3A_4] : memref<819200xi32, #tpu.memory_space<hbm>> -> memref<25600xi32, #tpu.memory_space<hbm>>
      tpu.wait_dma2 semaphore(%run_scoped3A : memref<!tpu.dma_semaphore, #tpu.memory_space<semaphore_mem>>) src(%dma_wait3A_11 : memref<25600xi32, #tpu.memory_space<hbm>>) dst(%arg5 : memref<25600xi32, #tpu.memory_space<vmem>>)
      tpu.yield
    }) : () -> ()
    %scan3A = arith.constant 0 : i32
    %scan3A_5 = arith.constant 0 : i32
    %scan3A_6 = arith.constant 32 : i32
    %scan3A_7 = arith.addi %scan3A_5, %scan3A_6 : i32
    %scan3A_8 = arith.constant 1 : i32
    scf.for %scan3A_10 = %scan3A_5 to %scan3A_7 step %scan3A_8  : i32 {
      %mul3A_11 = arith.constant 4 : i32
      %mul3A_12 = arith.muli %scan3A_10, %mul3A_11 : i32
      %add3A_13 = arith.constant 0 : i32
      %add3A_14 = arith.addi %mul3A_12, %add3A_13 : i32
      %mul3A_15 = arith.constant 200 : i32
      %mul3A_16 = arith.muli %add3A_14, %mul3A_15 : i32
      %dma_start3A = arith.constant 0 : i32
      %dma_start3A_17 = arith.constant 0 : i32
      %dma_start3A_18 = arith.constant 0 : i32
      %dma_start3A_19 = tpu.memref_slice %arg6[%dma_start3A, %dma_start3A_17, %dma_start3A_18] : memref<4x200x64xf32, #tpu.memory_space<vmem>> -> memref<1x200x64xf32, #tpu.memory_space<vmem>>
      %dma_start3A_20 = tpu.memref_squeeze %dma_start3A_19 : memref<1x200x64xf32, #tpu.memory_space<vmem>> -> memref<200x64xf32, #tpu.memory_space<vmem>>
      %dma_start3A_21 = tpu.memref_slice %arg5[%mul3A_16] : memref<25600xi32, #tpu.memory_space<vmem>> -> memref<200xi32, #tpu.memory_space<vmem>>
      %dma_start3A_22 = arith.constant 0 : i32
      %dma_start3A_23 = arith.constant 0 : i32
      %dma_start3A_24 = tpu.memref_slice %arg3[%dma_start3A_22, %dma_start3A_23] : memref<1000000x64xf32, #tpu.memory_space<hbm>> -> memref<1000000x64xf32, #tpu.memory_space<hbm>>
      tpu.enqueue_indirect_dma source(%dma_start3A_24 : memref<1000000x64xf32, #tpu.memory_space<hbm>>) target(%dma_start3A_20 : memref<200x64xf32, #tpu.memory_space<vmem>>) offsets(%dma_start3A_21 : memref<200xi32, #tpu.memory_space<vmem>>) semaphore(%arg7 : memref<!tpu.dma_semaphore, #tpu.memory_space<semaphore_mem>>)
      %add3A_25 = arith.constant 1 : i32
      %add3A_26 = arith.addi %mul3A_12, %add3A_25 : i32
      %mul3A_27 = arith.constant 200 : i32
      %mul3A_28 = arith.muli %add3A_26, %mul3A_27 : i32
      %dma_start3A_29 = arith.constant 1 : i32
      %dma_start3A_30 = arith.constant 0 : i32
      %dma_start3A_31 = arith.constant 0 : i32
      %dma_start3A_32 = tpu.memref_slice %arg6[%dma_start3A_29, %dma_start3A_30, %dma_start3A_31] : memref<4x200x64xf32, #tpu.memory_space<vmem>> -> memref<1x200x64xf32, #tpu.memory_space<vmem>>
      %dma_start3A_33 = tpu.memref_squeeze %dma_start3A_32 : memref<1x200x64xf32, #tpu.memory_space<vmem>> -> memref<200x64xf32, #tpu.memory_space<vmem>>
      %dma_start3A_34 = tpu.memref_slice %arg5[%mul3A_28] : memref<25600xi32, #tpu.memory_space<vmem>> -> memref<200xi32, #tpu.memory_space<vmem>>
      %dma_start3A_35 = arith.constant 0 : i32
      %dma_start3A_36 = arith.constant 0 : i32
      %dma_start3A_37 = tpu.memref_slice %arg3[%dma_start3A_35, %dma_start3A_36] : memref<1000000x64xf32, #tpu.memory_space<hbm>> -> memref<1000000x64xf32, #tpu.memory_space<hbm>>
      tpu.enqueue_indirect_dma source(%dma_start3A_37 : memref<1000000x64xf32, #tpu.memory_space<hbm>>) target(%dma_start3A_33 : memref<200x64xf32, #tpu.memory_space<vmem>>) offsets(%dma_start3A_34 : memref<200xi32, #tpu.memory_space<vmem>>) semaphore(%arg8 : memref<!tpu.dma_semaphore, #tpu.memory_space<semaphore_mem>>)
      %add3A_38 = arith.constant 2 : i32
      %add3A_39 = arith.addi %mul3A_12, %add3A_38 : i32
      %mul3A_40 = arith.constant 200 : i32
      %mul3A_41 = arith.muli %add3A_39, %mul3A_40 : i32
      %dma_start3A_42 = arith.constant 2 : i32
      %dma_start3A_43 = arith.constant 0 : i32
      %dma_start3A_44 = arith.constant 0 : i32
      %dma_start3A_45 = tpu.memref_slice %arg6[%dma_start3A_42, %dma_start3A_43, %dma_start3A_44] : memref<4x200x64xf32, #tpu.memory_space<vmem>> -> memref<1x200x64xf32, #tpu.memory_space<vmem>>
      %dma_start3A_46 = tpu.memref_squeeze %dma_start3A_45 : memref<1x200x64xf32, #tpu.memory_space<vmem>> -> memref<200x64xf32, #tpu.memory_space<vmem>>
      %dma_start3A_47 = tpu.memref_slice %arg5[%mul3A_41] : memref<25600xi32, #tpu.memory_space<vmem>> -> memref<200xi32, #tpu.memory_space<vmem>>
      %dma_start3A_48 = arith.constant 0 : i32
      %dma_start3A_49 = arith.constant 0 : i32
      %dma_start3A_50 = tpu.memref_slice %arg3[%dma_start3A_48, %dma_start3A_49] : memref<1000000x64xf32, #tpu.memory_space<hbm>> -> memref<1000000x64xf32, #tpu.memory_space<hbm>>
      tpu.enqueue_indirect_dma source(%dma_start3A_50 : memref<1000000x64xf32, #tpu.memory_space<hbm>>) target(%dma_start3A_46 : memref<200x64xf32, #tpu.memory_space<vmem>>) offsets(%dma_start3A_47 : memref<200xi32, #tpu.memory_space<vmem>>) semaphore(%arg9 : memref<!tpu.dma_semaphore, #tpu.memory_space<semaphore_mem>>)
      %add3A_51 = arith.constant 3 : i32
      %add3A_52 = arith.addi %mul3A_12, %add3A_51 : i32
      %mul3A_53 = arith.constant 200 : i32
      %mul3A_54 = arith.muli %add3A_52, %mul3A_53 : i32
      %dma_start3A_55 = arith.constant 3 : i32
      %dma_start3A_56 = arith.constant 0 : i32
      %dma_start3A_57 = arith.constant 0 : i32
      %dma_start3A_58 = tpu.memref_slice %arg6[%dma_start3A_55, %dma_start3A_56, %dma_start3A_57] : memref<4x200x64xf32, #tpu.memory_space<vmem>> -> memref<1x200x64xf32, #tpu.memory_space<vmem>>
      %dma_start3A_59 = tpu.memref_squeeze %dma_start3A_58 : memref<1x200x64xf32, #tpu.memory_space<vmem>> -> memref<200x64xf32, #tpu.memory_space<vmem>>
      %dma_start3A_60 = tpu.memref_slice %arg5[%mul3A_54] : memref<25600xi32, #tpu.memory_space<vmem>> -> memref<200xi32, #tpu.memory_space<vmem>>
      %dma_start3A_61 = arith.constant 0 : i32
      %dma_start3A_62 = arith.constant 0 : i32
      %dma_start3A_63 = tpu.memref_slice %arg3[%dma_start3A_61, %dma_start3A_62] : memref<1000000x64xf32, #tpu.memory_space<hbm>> -> memref<1000000x64xf32, #tpu.memory_space<hbm>>
      tpu.enqueue_indirect_dma source(%dma_start3A_63 : memref<1000000x64xf32, #tpu.memory_space<hbm>>) target(%dma_start3A_59 : memref<200x64xf32, #tpu.memory_space<vmem>>) offsets(%dma_start3A_60 : memref<200xi32, #tpu.memory_space<vmem>>) semaphore(%arg10 : memref<!tpu.dma_semaphore, #tpu.memory_space<semaphore_mem>>)
      %dma_wait3A = arith.constant 0 : i32
      %dma_wait3A_64 = arith.constant 0 : i32
      %dma_wait3A_65 = arith.constant 0 : i32
      %dma_wait3A_66 = tpu.memref_slice %arg6[%dma_wait3A, %dma_wait3A_64, %dma_wait3A_65] : memref<4x200x64xf32, #tpu.memory_space<vmem>> -> memref<1x200x64xf32, #tpu.memory_space<vmem>>
      %dma_wait3A_67 = tpu.memref_squeeze %dma_wait3A_66 : memref<1x200x64xf32, #tpu.memory_space<vmem>> -> memref<200x64xf32, #tpu.memory_space<vmem>>
      %dma_wait3A_68 = tpu.memref_slice %arg5[%mul3A_16] : memref<25600xi32, #tpu.memory_space<vmem>> -> memref<200xi32, #tpu.memory_space<vmem>>
      %dma_wait3A_69 = arith.constant 0 : i32
      %dma_wait3A_70 = arith.constant 0 : i32
      %dma_wait3A_71 = tpu.memref_slice %arg3[%dma_wait3A_69, %dma_wait3A_70] : memref<1000000x64xf32, #tpu.memory_space<hbm>> -> memref<1000000x64xf32, #tpu.memory_space<hbm>>
      tpu.wait_indirect_dma semaphore(%arg7 : memref<!tpu.dma_semaphore, #tpu.memory_space<semaphore_mem>>) src(%dma_wait3A_71 : memref<1000000x64xf32, #tpu.memory_space<hbm>>) dst(%dma_wait3A_67 : memref<200x64xf32, #tpu.memory_space<vmem>>)
      %scan3A_72 = arith.constant 0 : i32
      %scan3A_73 = arith.constant 0 : i32
      %scan3A_74 = arith.constant 50 : i32
      %scan3A_75 = arith.addi %scan3A_73, %scan3A_74 : i32
      %scan3A_76 = arith.constant 1 : i32
      scf.for %scan3A_271 = %scan3A_73 to %scan3A_75 step %scan3A_76  : i32 {
        %mul3A_272 = arith.constant 4 : i32
        %mul3A_273 = arith.muli %scan3A_271, %mul3A_272 : i32
        %add3A_274 = arith.constant 0 : i32
        %add3A_275 = arith.addi %mul3A_273, %add3A_274 : i32
        %get3A = arith.constant 0 : i32
        %get3A_276 = arith.index_cast %get3A : i32 to index
        %get3A_277 = arith.index_cast %add3A_275 : i32 to index
        %get3A_278 = arith.constant 0 : index
        %get3A_279 = tpu.vector_load %arg6[%get3A_276, %get3A_277, %get3A_278] {strides = array<i32>} : memref<4x200x64xf32, #tpu.memory_space<vmem>>, vector<1x1x16xf32>,
        %get3A_280 = vector.shape_cast %get3A_279 : vector<1x1x16xf32> to vector<16xf32>
        %mul3A_281 = arith.constant 8.000000e+00 : f32
        %mul3A_282 = vector.broadcast %mul3A_281 : f32 to vector<16xf32>
        %mul3A_283 = arith.mulf %get3A_280, %mul3A_282 : vector<16xf32>
        %swap3A = arith.constant 0 : i32
        %swap3A_284 = arith.index_cast %swap3A : i32 to index
        %swap3A_285 = arith.index_cast %add3A_275 : i32 to index
        %swap3A_286 = arith.constant 0 : index
        %swap3A_287 = tpu.vector_load %arg6[%swap3A_284, %swap3A_285, %swap3A_286] {strides = array<i32>} : memref<4x200x64xf32, #tpu.memory_space<vmem>>, vector<1x1x16xf32>,
        %swap3A_288 = vector.shape_cast %swap3A_287 : vector<1x1x16xf32> to vector<16xf32>
        %swap3A_289 = vector.shape_cast %mul3A_283 : vector<16xf32> to vector<1x1x16xf32>
        tpu.vector_store %arg6[%swap3A_284, %swap3A_285, %swap3A_286], %swap3A_289 {strides = array<i32>} : memref<4x200x64xf32, #tpu.memory_space<vmem>>, vector<1x1x16xf32>,
        %mul3A_290 = arith.constant 4 : i32
        %mul3A_291 = arith.muli %scan3A_271, %mul3A_290 : i32
        %add3A_292 = arith.constant 0 : i32
        %add3A_293 = arith.addi %mul3A_291, %add3A_292 : i32
        %get3A_294 = arith.constant 0 : i32
        %get3A_295 = arith.index_cast %get3A_294 : i32 to index
        %get3A_296 = arith.index_cast %add3A_293 : i32 to index
        %get3A_297 = arith.constant 16 : index
        %get3A_298 = tpu.vector_load %arg6[%get3A_295, %get3A_296, %get3A_297] {strides = array<i32>} : memref<4x200x64xf32, #tpu.memory_space<vmem>>, vector<1x1x16xf32>,
        %get3A_299 = vector.shape_cast %get3A_298 : vector<1x1x16xf32> to vector<16xf32>
        %mul3A_300 = arith.constant 8.000000e+00 : f32
        %mul3A_301 = vector.broadcast %mul3A_300 : f32 to vector<16xf32>
        %mul3A_302 = arith.mulf %get3A_299, %mul3A_301 : vector<16xf32>
        %swap3A_303 = arith.constant 0 : i32
        %swap3A_304 = arith.index_cast %swap3A_303 : i32 to index
        %swap3A_305 = arith.index_cast %add3A_293 : i32 to index
        %swap3A_306 = arith.constant 16 : index
        %swap3A_307 = tpu.vector_load %arg6[%swap3A_304, %swap3A_305, %swap3A_306] {strides = array<i32>} : memref<4x200x64xf32, #tpu.memory_space<vmem>>, vector<1x1x16xf32>,
        %swap3A_308 = vector.shape_cast %swap3A_307 : vector<1x1x16xf32> to vector<16xf32>
        %swap3A_309 = vector.shape_cast %mul3A_302 : vector<16xf32> to vector<1x1x16xf32>
        tpu.vector_store %arg6[%swap3A_304, %swap3A_305, %swap3A_306], %swap3A_309 {strides = array<i32>} : memref<4x200x64xf32, #tpu.memory_space<vmem>>, vector<1x1x16xf32>,
        %mul3A_310 = arith.constant 4 : i32
        %mul3A_311 = arith.muli %scan3A_271, %mul3A_310 : i32
        %add3A_312 = arith.constant 0 : i32
        %add3A_313 = arith.addi %mul3A_311, %add3A_312 : i32
        %get3A_314 = arith.constant 0 : i32
        %get3A_315 = arith.index_cast %get3A_314 : i32 to index
        %get3A_316 = arith.index_cast %add3A_313 : i32 to index
        %get3A_317 = arith.constant 32 : index
        %get3A_318 = tpu.vector_load %arg6[%get3A_315, %get3A_316, %get3A_317] {strides = array<i32>} : memref<4x200x64xf32, #tpu.memory_space<vmem>>, vector<1x1x16xf32>,
        %get3A_319 = vector.shape_cast %get3A_318 : vector<1x1x16xf32> to vector<16xf32>
        %mul3A_320 = arith.constant 8.000000e+00 : f32
        %mul3A_321 = vector.broadcast %mul3A_320 : f32 to vector<16xf32>
        %mul3A_322 = arith.mulf %get3A_319, %mul3A_321 : vector<16xf32>
        %swap3A_323 = arith.constant 0 : i32
        %swap3A_324 = arith.index_cast %swap3A_323 : i32 to index
        %swap3A_325 = arith.index_cast %add3A_313 : i32 to index
        %swap3A_326 = arith.constant 32 : index
        %swap3A_327 = tpu.vector_load %arg6[%swap3A_324, %swap3A_325, %swap3A_326] {strides = array<i32>} : memref<4x200x64xf32, #tpu.memory_space<vmem>>, vector<1x1x16xf32>,
        %swap3A_328 = vector.shape_cast %swap3A_327 : vector<1x1x16xf32> to vector<16xf32>
        %swap3A_329 = vector.shape_cast %mul3A_322 : vector<16xf32> to vector<1x1x16xf32>
        tpu.vector_store %arg6[%swap3A_324, %swap3A_325, %swap3A_326], %swap3A_329 {strides = array<i32>} : memref<4x200x64xf32, #tpu.memory_space<vmem>>, vector<1x1x16xf32>,
        %mul3A_330 = arith.constant 4 : i32
        %mul3A_331 = arith.muli %scan3A_271, %mul3A_330 : i32
        %add3A_332 = arith.constant 0 : i32
        %add3A_333 = arith.addi %mul3A_331, %add3A_332 : i32
        %get3A_334 = arith.constant 0 : i32
        %get3A_335 = arith.index_cast %get3A_334 : i32 to index
        %get3A_336 = arith.index_cast %add3A_333 : i32 to index
        %get3A_337 = arith.constant 48 : index
        %get3A_338 = tpu.vector_load %arg6[%get3A_335, %get3A_336, %get3A_337] {strides = array<i32>} : memref<4x200x64xf32, #tpu.memory_space<vmem>>, vector<1x1x16xf32>,
        %get3A_339 = vector.shape_cast %get3A_338 : vector<1x1x16xf32> to vector<16xf32>
        %mul3A_340 = arith.constant 8.000000e+00 : f32
        %mul3A_341 = vector.broadcast %mul3A_340 : f32 to vector<16xf32>
        %mul3A_342 = arith.mulf %get3A_339, %mul3A_341 : vector<16xf32>
        %swap3A_343 = arith.constant 0 : i32
        %swap3A_344 = arith.index_cast %swap3A_343 : i32 to index
        %swap3A_345 = arith.index_cast %add3A_333 : i32 to index
        %swap3A_346 = arith.constant 48 : index
        %swap3A_347 = tpu.vector_load %arg6[%swap3A_344, %swap3A_345, %swap3A_346] {strides = array<i32>} : memref<4x200x64xf32, #tpu.memory_space<vmem>>, vector<1x1x16xf32>,
        %swap3A_348 = vector.shape_cast %swap3A_347 : vector<1x1x16xf32> to vector<16xf32>
        %swap3A_349 = vector.shape_cast %mul3A_342 : vector<16xf32> to vector<1x1x16xf32>
        tpu.vector_store %arg6[%swap3A_344, %swap3A_345, %swap3A_346], %swap3A_349 {strides = array<i32>} : memref<4x200x64xf32, #tpu.memory_space<vmem>>, vector<1x1x16xf32>,
        %mul3A_350 = arith.constant 4 : i32
        %mul3A_351 = arith.muli %scan3A_271, %mul3A_350 : i32
        %add3A_352 = arith.constant 1 : i32
        %add3A_353 = arith.addi %mul3A_351, %add3A_352 : i32
        %get3A_354 = arith.constant 0 : i32
        %get3A_355 = arith.index_cast %get3A_354 : i32 to index
        %get3A_356 = arith.index_cast %add3A_353 : i32 to index
        %get3A_357 = arith.constant 0 : index
        %get3A_358 = tpu.vector_load %arg6[%get3A_355, %get3A_356, %get3A_357] {strides = array<i32>} : memref<4x200x64xf32, #tpu.memory_space<vmem>>, vector<1x1x16xf32>,
        %get3A_359 = vector.shape_cast %get3A_358 : vector<1x1x16xf32> to vector<16xf32>
        %mul3A_360 = arith.constant 8.000000e+00 : f32
        %mul3A_361 = vector.broadcast %mul3A_360 : f32 to vector<16xf32>
        %mul3A_362 = arith.mulf %get3A_359, %mul3A_361 : vector<16xf32>
        %swap3A_363 = arith.constant 0 : i32
        %swap3A_364 = arith.index_cast %swap3A_363 : i32 to index
        %swap3A_365 = arith.index_cast %add3A_353 : i32 to index
        %swap3A_366 = arith.constant 0 : index
        %swap3A_367 = tpu.vector_load %arg6[%swap3A_364, %swap3A_365, %swap3A_366] {strides = array<i32>} : memref<4x200x64xf32, #tpu.memory_space<vmem>>, vector<1x1x16xf32>,
        %swap3A_368 = vector.shape_cast %swap3A_367 : vector<1x1x16xf32> to vector<16xf32>
        %swap3A_369 = vector.shape_cast %mul3A_362 : vector<16xf32> to vector<1x1x16xf32>
        tpu.vector_store %arg6[%swap3A_364, %swap3A_365, %swap3A_366], %swap3A_369 {strides = array<i32>} : memref<4x200x64xf32, #tpu.memory_space<vmem>>, vector<1x1x16xf32>,
        %mul3A_370 = arith.constant 4 : i32
        %mul3A_371 = arith.muli %scan3A_271, %mul3A_370 : i32
        %add3A_372 = arith.constant 1 : i32
        %add3A_373 = arith.addi %mul3A_371, %add3A_372 : i32
        %get3A_374 = arith.constant 0 : i32
        %get3A_375 = arith.index_cast %get3A_374 : i32 to index
        %get3A_376 = arith.index_cast %add3A_373 : i32 to index
        %get3A_377 = arith.constant 16 : index
        %get3A_378 = tpu.vector_load %arg6[%get3A_375, %get3A_376, %get3A_377] {strides = array<i32>} : memref<4x200x64xf32, #tpu.memory_space<vmem>>, vector<1x1x16xf32>,
        %get3A_379 = vector.shape_cast %get3A_378 : vector<1x1x16xf32> to vector<16xf32>
        %mul3A_380 = arith.constant 8.000000e+00 : f32
        %mul3A_381 = vector.broadcast %mul3A_380 : f32 to vector<16xf32>
        %mul3A_382 = arith.mulf %get3A_379, %mul3A_381 : vector<16xf32>
        %swap3A_383 = arith.constant 0 : i32
        %swap3A_384 = arith.index_cast %swap3A_383 : i32 to index
        %swap3A_385 = arith.index_cast %add3A_373 : i32 to index
        %swap3A_386 = arith.constant 16 : index
        %swap3A_387 = tpu.vector_load %arg6[%swap3A_384, %swap3A_385, %swap3A_386] {strides = array<i32>} : memref<4x200x64xf32, #tpu.memory_space<vmem>>, vector<1x1x16xf32>,
        %swap3A_388 = vector.shape_cast %swap3A_387 : vector<1x1x16xf32> to vector<16xf32>
        %swap3A_389 = vector.shape_cast %mul3A_382 : vector<16xf32> to vector<1x1x16xf32>
        tpu.vector_store %arg6[%swap3A_384, %swap3A_385, %swap3A_386], %swap3A_389 {strides = array<i32>} : memref<4x200x64xf32, #tpu.memory_space<vmem>>, vector<1x1x16xf32>,
        %mul3A_390 = arith.constant 4 : i32
        %mul3A_391 = arith.muli %scan3A_271, %mul3A_390 : i32
        %add3A_392 = arith.constant 1 : i32
        %add3A_393 = arith.addi %mul3A_391, %add3A_392 : i32
        %get3A_394 = arith.constant 0 : i32
        %get3A_395 = arith.index_cast %get3A_394 : i32 to index
        %get3A_396 = arith.index_cast %add3A_393 : i32 to index
        %get3A_397 = arith.constant 32 : index
        %get3A_398 = tpu.vector_load %arg6[%get3A_395, %get3A_396, %get3A_397] {strides = array<i32>} : memref<4x200x64xf32, #tpu.memory_space<vmem>>, vector<1x1x16xf32>,
        %get3A_399 = vector.shape_cast %get3A_398 : vector<1x1x16xf32> to vector<16xf32>
        %mul3A_400 = arith.constant 8.000000e+00 : f32
        %mul3A_401 = vector.broadcast %mul3A_400 : f32 to vector<16xf32>
        %mul3A_402 = arith.mulf %get3A_399, %mul3A_401 : vector<16xf32>
        %swap3A_403 = arith.constant 0 : i32
        %swap3A_404 = arith.index_cast %swap3A_403 : i32 to index
        %swap3A_405 = arith.index_cast %add3A_393 : i32 to index
        %swap3A_406 = arith.constant 32 : index
        %swap3A_407 = tpu.vector_load %arg6[%swap3A_404, %swap3A_405, %swap3A_406] {strides = array<i32>} : memref<4x200x64xf32, #tpu.memory_space<vmem>>, vector<1x1x16xf32>,
        %swap3A_408 = vector.shape_cast %swap3A_407 : vector<1x1x16xf32> to vector<16xf32>
        %swap3A_409 = vector.shape_cast %mul3A_402 : vector<16xf32> to vector<1x1x16xf32>
        tpu.vector_store %arg6[%swap3A_404, %swap3A_405, %swap3A_406], %swap3A_409 {strides = array<i32>} : memref<4x200x64xf32, #tpu.memory_space<vmem>>, vector<1x1x16xf32>,
        %mul3A_410 = arith.constant 4 : i32
        %mul3A_411 = arith.muli %scan3A_271, %mul3A_410 : i32
        %add3A_412 = arith.constant 1 : i32
        %add3A_413 = arith.addi %mul3A_411, %add3A_412 : i32
        %get3A_414 = arith.constant 0 : i32
        %get3A_415 = arith.index_cast %get3A_414 : i32 to index
        %get3A_416 = arith.index_cast %add3A_413 : i32 to index
        %get3A_417 = arith.constant 48 : index
        %get3A_418 = tpu.vector_load %arg6[%get3A_415, %get3A_416, %get3A_417] {strides = array<i32>} : memref<4x200x64xf32, #tpu.memory_space<vmem>>, vector<1x1x16xf32>,
        %get3A_419 = vector.shape_cast %get3A_418 : vector<1x1x16xf32> to vector<16xf32>
        %mul3A_420 = arith.constant 8.000000e+00 : f32
        %mul3A_421 = vector.broadcast %mul3A_420 : f32 to vector<16xf32>
        %mul3A_422 = arith.mulf %get3A_419, %mul3A_421 : vector<16xf32>
        %swap3A_423 = arith.constant 0 : i32
        %swap3A_424 = arith.index_cast %swap3A_423 : i32 to index
        %swap3A_425 = arith.index_cast %add3A_413 : i32 to index
        %swap3A_426 = arith.constant 48 : index
        %swap3A_427 = tpu.vector_load %arg6[%swap3A_424, %swap3A_425, %swap3A_426] {strides = array<i32>} : memref<4x200x64xf32, #tpu.memory_space<vmem>>, vector<1x1x16xf32>,
        %swap3A_428 = vector.shape_cast %swap3A_427 : vector<1x1x16xf32> to vector<16xf32>
        %swap3A_429 = vector.shape_cast %mul3A_422 : vector<16xf32> to vector<1x1x16xf32>
        tpu.vector_store %arg6[%swap3A_424, %swap3A_425, %swap3A_426], %swap3A_429 {strides = array<i32>} : memref<4x200x64xf32, #tpu.memory_space<vmem>>, vector<1x1x16xf32>,
        %mul3A_430 = arith.constant 4 : i32
        %mul3A_431 = arith.muli %scan3A_271, %mul3A_430 : i32
        %add3A_432 = arith.constant 2 : i32
        %add3A_433 = arith.addi %mul3A_431, %add3A_432 : i32
        %get3A_434 = arith.constant 0 : i32
        %get3A_435 = arith.index_cast %get3A_434 : i32 to index
        %get3A_436 = arith.index_cast %add3A_433 : i32 to index
        %get3A_437 = arith.constant 0 : index
        %get3A_438 = tpu.vector_load %arg6[%get3A_435, %get3A_436, %get3A_437] {strides = array<i32>} : memref<4x200x64xf32, #tpu.memory_space<vmem>>, vector<1x1x16xf32>,
        %get3A_439 = vector.shape_cast %get3A_438 : vector<1x1x16xf32> to vector<16xf32>
        %mul3A_440 = arith.constant 8.000000e+00 : f32
        %mul3A_441 = vector.broadcast %mul3A_440 : f32 to vector<16xf32>
        %mul3A_442 = arith.mulf %get3A_439, %mul3A_441 : vector<16xf32>
        %swap3A_443 = arith.constant 0 : i32
        %swap3A_444 = arith.index_cast %swap3A_443 : i32 to index
        %swap3A_445 = arith.index_cast %add3A_433 : i32 to index
        %swap3A_446 = arith.constant 0 : index
        %swap3A_447 = tpu.vector_load %arg6[%swap3A_444, %swap3A_445, %swap3A_446] {strides = array<i32>} : memref<4x200x64xf32, #tpu.memory_space<vmem>>, vector<1x1x16xf32>,
        %swap3A_448 = vector.shape_cast %swap3A_447 : vector<1x1x16xf32> to vector<16xf32>
        %swap3A_449 = vector.shape_cast %mul3A_442 : vector<16xf32> to vector<1x1x16xf32>
        tpu.vector_store %arg6[%swap3A_444, %swap3A_445, %swap3A_446], %swap3A_449 {strides = array<i32>} : memref<4x200x64xf32, #tpu.memory_space<vmem>>, vector<1x1x16xf32>,
        %mul3A_450 = arith.constant 4 : i32
        %mul3A_451 = arith.muli %scan3A_271, %mul3A_450 : i32
        %add3A_452 = arith.constant 2 : i32
        %add3A_453 = arith.addi %mul3A_451, %add3A_452 : i32
        %get3A_454 = arith.constant 0 : i32
        %get3A_455 = arith.index_cast %get3A_454 : i32 to index
        %get3A_456 = arith.index_cast %add3A_453 : i32 to index
        %get3A_457 = arith.constant 16 : index
        %get3A_458 = tpu.vector_load %arg6[%get3A_455, %get3A_456, %get3A_457] {strides = array<i32>} : memref<4x200x64xf32, #tpu.memory_space<vmem>>, vector<1x1x16xf32>,
        %get3A_459 = vector.shape_cast %get3A_458 : vector<1x1x16xf32> to vector<16xf32>
        %mul3A_460 = arith.constant 8.000000e+00 : f32
        %mul3A_461 = vector.broadcast %mul3A_460 : f32 to vector<16xf32>
        %mul3A_462 = arith.mulf %get3A_459, %mul3A_461 : vector<16xf32>
        %swap3A_463 = arith.constant 0 : i32
        %swap3A_464 = arith.index_cast %swap3A_463 : i32 to index
        %swap3A_465 = arith.index_cast %add3A_453 : i32 to index
        %swap3A_466 = arith.constant 16 : index
        %swap3A_467 = tpu.vector_load %arg6[%swap3A_464, %swap3A_465, %swap3A_466] {strides = array<i32>} : memref<4x200x64xf32, #tpu.memory_space<vmem>>, vector<1x1x16xf32>,
        %swap3A_468 = vector.shape_cast %swap3A_467 : vector<1x1x16xf32> to vector<16xf32>
        %swap3A_469 = vector.shape_cast %mul3A_462 : vector<16xf32> to vector<1x1x16xf32>
        tpu.vector_store %arg6[%swap3A_464, %swap3A_465, %swap3A_466], %swap3A_469 {strides = array<i32>} : memref<4x200x64xf32, #tpu.memory_space<vmem>>, vector<1x1x16xf32>,
        %mul3A_470 = arith.constant 4 : i32
        %mul3A_471 = arith.muli %scan3A_271, %mul3A_470 : i32
        %add3A_472 = arith.constant 2 : i32
        %add3A_473 = arith.addi %mul3A_471, %add3A_472 : i32
        %get3A_474 = arith.constant 0 : i32
        %get3A_475 = arith.index_cast %get3A_474 : i32 to index
        %get3A_476 = arith.index_cast %add3A_473 : i32 to index
        %get3A_477 = arith.constant 32 : index
        %get3A_478 = tpu.vector_load %arg6[%get3A_475, %get3A_476, %get3A_477] {strides = array<i32>} : memref<4x200x64xf32, #tpu.memory_space<vmem>>, vector<1x1x16xf32>,
        %get3A_479 = vector.shape_cast %get3A_478 : vector<1x1x16xf32> to vector<16xf32>
        %mul3A_480 = arith.constant 8.000000e+00 : f32
        %mul3A_481 = vector.broadcast %mul3A_480 : f32 to vector<16xf32>
        %mul3A_482 = arith.mulf %get3A_479, %mul3A_481 : vector<16xf32>
        %swap3A_483 = arith.constant 0 : i32
        %swap3A_484 = arith.index_cast %swap3A_483 : i32 to index
        %swap3A_485 = arith.index_cast %add3A_473 : i32 to index
        %swap3A_486 = arith.constant 32 : index
        %swap3A_487 = tpu.vector_load %arg6[%swap3A_484, %swap3A_485, %swap3A_486] {strides = array<i32>} : memref<4x200x64xf32, #tpu.memory_space<vmem>>, vector<1x1x16xf32>,
        %swap3A_488 = vector.shape_cast %swap3A_487 : vector<1x1x16xf32> to vector<16xf32>
        %swap3A_489 = vector.shape_cast %mul3A_482 : vector<16xf32> to vector<1x1x16xf32>
        tpu.vector_store %arg6[%swap3A_484, %swap3A_485, %swap3A_486], %swap3A_489 {strides = array<i32>} : memref<4x200x64xf32, #tpu.memory_space<vmem>>, vector<1x1x16xf32>,
        %mul3A_490 = arith.constant 4 : i32
        %mul3A_491 = arith.muli %scan3A_271, %mul3A_490 : i32
        %add3A_492 = arith.constant 2 : i32
        %add3A_493 = arith.addi %mul3A_491, %add3A_492 : i32
        %get3A_494 = arith.constant 0 : i32
        %get3A_495 = arith.index_cast %get3A_494 : i32 to index
        %get3A_496 = arith.index_cast %add3A_493 : i32 to index
        %get3A_497 = arith.constant 48 : index
        %get3A_498 = tpu.vector_load %arg6[%get3A_495, %get3A_496, %get3A_497] {strides = array<i32>} : memref<4x200x64xf32, #tpu.memory_space<vmem>>, vector<1x1x16xf32>,
        %get3A_499 = vector.shape_cast %get3A_498 : vector<1x1x16xf32> to vector<16xf32>
        %mul3A_500 = arith.constant 8.000000e+00 : f32
        %mul3A_501 = vector.broadcast %mul3A_500 : f32 to vector<16xf32>
        %mul3A_502 = arith.mulf %get3A_499, %mul3A_501 : vector<16xf32>
        %swap3A_503 = arith.constant 0 : i32
        %swap3A_504 = arith.index_cast %swap3A_503 : i32 to index
        %swap3A_505 = arith.index_cast %add3A_493 : i32 to index
        %swap3A_506 = arith.constant 48 : index
        %swap3A_507 = tpu.vector_load %arg6[%swap3A_504, %swap3A_505, %swap3A_506] {strides = array<i32>} : memref<4x200x64xf32, #tpu.memory_space<vmem>>, vector<1x1x16xf32>,
        %swap3A_508 = vector.shape_cast %swap3A_507 : vector<1x1x16xf32> to vector<16xf32>
        %swap3A_509 = vector.shape_cast %mul3A_502 : vector<16xf32> to vector<1x1x16xf32>
        tpu.vector_store %arg6[%swap3A_504, %swap3A_505, %swap3A_506], %swap3A_509 {strides = array<i32>} : memref<4x200x64xf32, #tpu.memory_space<vmem>>, vector<1x1x16xf32>,
        %mul3A_510 = arith.constant 4 : i32
        %mul3A_511 = arith.muli %scan3A_271, %mul3A_510 : i32
        %add3A_512 = arith.constant 3 : i32
        %add3A_513 = arith.addi %mul3A_511, %add3A_512 : i32
        %get3A_514 = arith.constant 0 : i32
        %get3A_515 = arith.index_cast %get3A_514 : i32 to index
        %get3A_516 = arith.index_cast %add3A_513 : i32 to index
        %get3A_517 = arith.constant 0 : index
        %get3A_518 = tpu.vector_load %arg6[%get3A_515, %get3A_516, %get3A_517] {strides = array<i32>} : memref<4x200x64xf32, #tpu.memory_space<vmem>>, vector<1x1x16xf32>,
        %get3A_519 = vector.shape_cast %get3A_518 : vector<1x1x16xf32> to vector<16xf32>
        %mul3A_520 = arith.constant 8.000000e+00 : f32
        %mul3A_521 = vector.broadcast %mul3A_520 : f32 to vector<16xf32>
        %mul3A_522 = arith.mulf %get3A_519, %mul3A_521 : vector<16xf32>
        %swap3A_523 = arith.constant 0 : i32
        %swap3A_524 = arith.index_cast %swap3A_523 : i32 to index
        %swap3A_525 = arith.index_cast %add3A_513 : i32 to index
        %swap3A_526 = arith.constant 0 : index
        %swap3A_527 = tpu.vector_load %arg6[%swap3A_524, %swap3A_525, %swap3A_526] {strides = array<i32>} : memref<4x200x64xf32, #tpu.memory_space<vmem>>, vector<1x1x16xf32>,
        %swap3A_528 = vector.shape_cast %swap3A_527 : vector<1x1x16xf32> to vector<16xf32>
        %swap3A_529 = vector.shape_cast %mul3A_522 : vector<16xf32> to vector<1x1x16xf32>
        tpu.vector_store %arg6[%swap3A_524, %swap3A_525, %swap3A_526], %swap3A_529 {strides = array<i32>} : memref<4x200x64xf32, #tpu.memory_space<vmem>>, vector<1x1x16xf32>,
        %mul3A_530 = arith.constant 4 : i32
        %mul3A_531 = arith.muli %scan3A_271, %mul3A_530 : i32
        %add3A_532 = arith.constant 3 : i32
        %add3A_533 = arith.addi %mul3A_531, %add3A_532 : i32
        %get3A_534 = arith.constant 0 : i32
        %get3A_535 = arith.index_cast %get3A_534 : i32 to index
        %get3A_536 = arith.index_cast %add3A_533 : i32 to index
        %get3A_537 = arith.constant 16 : index
        %get3A_538 = tpu.vector_load %arg6[%get3A_535, %get3A_536, %get3A_537] {strides = array<i32>} : memref<4x200x64xf32, #tpu.memory_space<vmem>>, vector<1x1x16xf32>,
        %get3A_539 = vector.shape_cast %get3A_538 : vector<1x1x16xf32> to vector<16xf32>
        %mul3A_540 = arith.constant 8.000000e+00 : f32
        %mul3A_541 = vector.broadcast %mul3A_540 : f32 to vector<16xf32>
        %mul3A_542 = arith.mulf %get3A_539, %mul3A_541 : vector<16xf32>
        %swap3A_543 = arith.constant 0 : i32
        %swap3A_544 = arith.index_cast %swap3A_543 : i32 to index
        %swap3A_545 = arith.index_cast %add3A_533 : i32 to index
        %swap3A_546 = arith.constant 16 : index
        %swap3A_547 = tpu.vector_load %arg6[%swap3A_544, %swap3A_545, %swap3A_546] {strides = array<i32>} : memref<4x200x64xf32, #tpu.memory_space<vmem>>, vector<1x1x16xf32>,
        %swap3A_548 = vector.shape_cast %swap3A_547 : vector<1x1x16xf32> to vector<16xf32>
        %swap3A_549 = vector.shape_cast %mul3A_542 : vector<16xf32> to vector<1x1x16xf32>
        tpu.vector_store %arg6[%swap3A_544, %swap3A_545, %swap3A_546], %swap3A_549 {strides = array<i32>} : memref<4x200x64xf32, #tpu.memory_space<vmem>>, vector<1x1x16xf32>,
        %mul3A_550 = arith.constant 4 : i32
        %mul3A_551 = arith.muli %scan3A_271, %mul3A_550 : i32
        %add3A_552 = arith.constant 3 : i32
        %add3A_553 = arith.addi %mul3A_551, %add3A_552 : i32
        %get3A_554 = arith.constant 0 : i32
        %get3A_555 = arith.index_cast %get3A_554 : i32 to index
        %get3A_556 = arith.index_cast %add3A_553 : i32 to index
        %get3A_557 = arith.constant 32 : index
        %get3A_558 = tpu.vector_load %arg6[%get3A_555, %get3A_556, %get3A_557] {strides = array<i32>} : memref<4x200x64xf32, #tpu.memory_space<vmem>>, vector<1x1x16xf32>,
        %get3A_559 = vector.shape_cast %get3A_558 : vector<1x1x16xf32> to vector<16xf32>
        %mul3A_560 = arith.constant 8.000000e+00 : f32
        %mul3A_561 = vector.broadcast %mul3A_560 : f32 to vector<16xf32>
        %mul3A_562 = arith.mulf %get3A_559, %mul3A_561 : vector<16xf32>
        %swap3A_563 = arith.constant 0 : i32
        %swap3A_564 = arith.index_cast %swap3A_563 : i32 to index
        %swap3A_565 = arith.index_cast %add3A_553 : i32 to index
        %swap3A_566 = arith.constant 32 : index
        %swap3A_567 = tpu.vector_load %arg6[%swap3A_564, %swap3A_565, %swap3A_566] {strides = array<i32>} : memref<4x200x64xf32, #tpu.memory_space<vmem>>, vector<1x1x16xf32>,
        %swap3A_568 = vector.shape_cast %swap3A_567 : vector<1x1x16xf32> to vector<16xf32>
        %swap3A_569 = vector.shape_cast %mul3A_562 : vector<16xf32> to vector<1x1x16xf32>
        tpu.vector_store %arg6[%swap3A_564, %swap3A_565, %swap3A_566], %swap3A_569 {strides = array<i32>} : memref<4x200x64xf32, #tpu.memory_space<vmem>>, vector<1x1x16xf32>,
        %mul3A_570 = arith.constant 4 : i32
        %mul3A_571 = arith.muli %scan3A_271, %mul3A_570 : i32
        %add3A_572 = arith.constant 3 : i32
        %add3A_573 = arith.addi %mul3A_571, %add3A_572 : i32
        %get3A_574 = arith.constant 0 : i32
        %get3A_575 = arith.index_cast %get3A_574 : i32 to index
        %get3A_576 = arith.index_cast %add3A_573 : i32 to index
        %get3A_577 = arith.constant 48 : index
        %get3A_578 = tpu.vector_load %arg6[%get3A_575, %get3A_576, %get3A_577] {strides = array<i32>} : memref<4x200x64xf32, #tpu.memory_space<vmem>>, vector<1x1x16xf32>,
        %get3A_579 = vector.shape_cast %get3A_578 : vector<1x1x16xf32> to vector<16xf32>
        %mul3A_580 = arith.constant 8.000000e+00 : f32
        %mul3A_581 = vector.broadcast %mul3A_580 : f32 to vector<16xf32>
        %mul3A_582 = arith.mulf %get3A_579, %mul3A_581 : vector<16xf32>
        %swap3A_583 = arith.constant 0 : i32
        %swap3A_584 = arith.index_cast %swap3A_583 : i32 to index
        %swap3A_585 = arith.index_cast %add3A_573 : i32 to index
        %swap3A_586 = arith.constant 48 : index
        %swap3A_587 = tpu.vector_load %arg6[%swap3A_584, %swap3A_585, %swap3A_586] {strides = array<i32>} : memref<4x200x64xf32, #tpu.memory_space<vmem>>, vector<1x1x16xf32>,
        %swap3A_588 = vector.shape_cast %swap3A_587 : vector<1x1x16xf32> to vector<16xf32>
        %swap3A_589 = vector.shape_cast %mul3A_582 : vector<16xf32> to vector<1x1x16xf32>
        tpu.vector_store %arg6[%swap3A_584, %swap3A_585, %swap3A_586], %swap3A_589 {strides = array<i32>} : memref<4x200x64xf32, #tpu.memory_space<vmem>>, vector<1x1x16xf32>,
      }
      %scan3A_77 = arith.constant 50 : i32
      %add3A_78 = arith.addi %mul3A_2, %mul3A_12 : i32
      %add3A_79 = arith.constant 0 : i32
      %add3A_80 = arith.addi %add3A_78, %add3A_79 : i32
      %dma_start3A_81 = arith.constant 0 : i32
      %dma_start3A_82 = arith.constant 0 : i32
      %dma_start3A_83 = arith.constant 0 : i32
      %dma_start3A_84 = tpu.memref_slice %arg6[%dma_start3A_81, %dma_start3A_82, %dma_start3A_83] : memref<4x200x64xf32, #tpu.memory_space<vmem>> -> memref<1x200x64xf32, #tpu.memory_space<vmem>>
      %dma_start3A_85 = tpu.memref_squeeze %dma_start3A_84 : memref<1x200x64xf32, #tpu.memory_space<vmem>> -> memref<200x64xf32, #tpu.memory_space<vmem>>
      %dma_start3A_86 = arith.constant 0 : i32
      %dma_start3A_87 = arith.constant 0 : i32
      %dma_start3A_88 = tpu.memref_slice %arg4[%add3A_80, %dma_start3A_86, %dma_start3A_87] : memref<4096x200x64xf32, #tpu.memory_space<hbm>> -> memref<1x200x64xf32, #tpu.memory_space<hbm>>
      %dma_start3A_89 = tpu.memref_squeeze %dma_start3A_88 : memref<1x200x64xf32, #tpu.memory_space<hbm>> -> memref<200x64xf32, #tpu.memory_space<hbm>>
      %dma_start3A_90 = arith.constant 0 : i32
      %dma_start3A_91 = arith.constant 0 : i32
      %dma_start3A_92 = tpu.memref_slice %arg4[%add3A_80, %dma_start3A_90, %dma_start3A_91] : memref<4096x200x64xf32, #tpu.memory_space<hbm>> -> memref<1x200x64xf32, #tpu.memory_space<hbm>>
      %dma_start3A_93 = tpu.memref_squeeze %dma_start3A_92 : memref<1x200x64xf32, #tpu.memory_space<hbm>> -> memref<200x64xf32, #tpu.memory_space<hbm>>
      %dma_start3A_94 = arith.constant 0 : i32
      %dma_start3A_95 = arith.constant 0 : i32
      %dma_start3A_96 = tpu.memref_slice %arg6[%dma_start3A_81, %dma_start3A_94, %dma_start3A_95] : memref<4x200x64xf32, #tpu.memory_space<vmem>> -> memref<1x200x64xf32, #tpu.memory_space<vmem>>
      %dma_start3A_97 = tpu.memref_squeeze %dma_start3A_96 : memref<1x200x64xf32, #tpu.memory_space<vmem>> -> memref<200x64xf32, #tpu.memory_space<vmem>>
      tpu.enqueue_dma source(%dma_start3A_97 : memref<200x64xf32, #tpu.memory_space<vmem>>) target(%dma_start3A_93 : memref<200x64xf32, #tpu.memory_space<hbm>>) target_semaphore(%arg11 : memref<!tpu.dma_semaphore, #tpu.memory_space<semaphore_mem>>)
      %dma_wait3A_98 = arith.constant 1 : i32
      %dma_wait3A_99 = arith.constant 0 : i32
      %dma_wait3A_100 = arith.constant 0 : i32
      %dma_wait3A_101 = tpu.memref_slice %arg6[%dma_wait3A_98, %dma_wait3A_99, %dma_wait3A_100] : memref<4x200x64xf32, #tpu.memory_space<vmem>> -> memref<1x200x64xf32, #tpu.memory_space<vmem>>
      %dma_wait3A_102 = tpu.memref_squeeze %dma_wait3A_101 : memref<1x200x64xf32, #tpu.memory_space<vmem>> -> memref<200x64xf32, #tpu.memory_space<vmem>>
      %dma_wait3A_103 = tpu.memref_slice %arg5[%mul3A_28] : memref<25600xi32, #tpu.memory_space<vmem>> -> memref<200xi32, #tpu.memory_space<vmem>>
      %dma_wait3A_104 = arith.constant 0 : i32
      %dma_wait3A_105 = arith.constant 0 : i32
      %dma_wait3A_106 = tpu.memref_slice %arg3[%dma_wait3A_104, %dma_wait3A_105] : memref<1000000x64xf32, #tpu.memory_space<hbm>> -> memref<1000000x64xf32, #tpu.memory_space<hbm>>
      tpu.wait_indirect_dma semaphore(%arg8 : memref<!tpu.dma_semaphore, #tpu.memory_space<semaphore_mem>>) src(%dma_wait3A_106 : memref<1000000x64xf32, #tpu.memory_space<hbm>>) dst(%dma_wait3A_102 : memref<200x64xf32, #tpu.memory_space<vmem>>)
      %scan3A_107 = arith.constant 0 : i32
      %scan3A_108 = arith.constant 0 : i32
      %scan3A_109 = arith.constant 50 : i32
      %scan3A_110 = arith.addi %scan3A_108, %scan3A_109 : i32
      %scan3A_111 = arith.constant 1 : i32
      scf.for %scan3A_271 = %scan3A_108 to %scan3A_110 step %scan3A_111  : i32 {
        %mul3A_272 = arith.constant 4 : i32
        %mul3A_273 = arith.muli %scan3A_271, %mul3A_272 : i32
        %add3A_274 = arith.constant 0 : i32
        %add3A_275 = arith.addi %mul3A_273, %add3A_274 : i32
        %get3A = arith.constant 1 : i32
        %get3A_276 = arith.index_cast %get3A : i32 to index
        %get3A_277 = arith.index_cast %add3A_275 : i32 to index
        %get3A_278 = arith.constant 0 : index
        %get3A_279 = tpu.vector_load %arg6[%get3A_276, %get3A_277, %get3A_278] {strides = array<i32>} : memref<4x200x64xf32, #tpu.memory_space<vmem>>, vector<1x1x16xf32>,
        %get3A_280 = vector.shape_cast %get3A_279 : vector<1x1x16xf32> to vector<16xf32>
        %mul3A_281 = arith.constant 8.000000e+00 : f32
        %mul3A_282 = vector.broadcast %mul3A_281 : f32 to vector<16xf32>
        %mul3A_283 = arith.mulf %get3A_280, %mul3A_282 : vector<16xf32>
        %swap3A = arith.constant 1 : i32
        %swap3A_284 = arith.index_cast %swap3A : i32 to index
        %swap3A_285 = arith.index_cast %add3A_275 : i32 to index
        %swap3A_286 = arith.constant 0 : index
        %swap3A_287 = tpu.vector_load %arg6[%swap3A_284, %swap3A_285, %swap3A_286] {strides = array<i32>} : memref<4x200x64xf32, #tpu.memory_space<vmem>>, vector<1x1x16xf32>,
        %swap3A_288 = vector.shape_cast %swap3A_287 : vector<1x1x16xf32> to vector<16xf32>
        %swap3A_289 = vector.shape_cast %mul3A_283 : vector<16xf32> to vector<1x1x16xf32>
        tpu.vector_store %arg6[%swap3A_284, %swap3A_285, %swap3A_286], %swap3A_289 {strides = array<i32>} : memref<4x200x64xf32, #tpu.memory_space<vmem>>, vector<1x1x16xf32>,
        %mul3A_290 = arith.constant 4 : i32
        %mul3A_291 = arith.muli %scan3A_271, %mul3A_290 : i32
        %add3A_292 = arith.constant 0 : i32
        %add3A_293 = arith.addi %mul3A_291, %add3A_292 : i32
        %get3A_294 = arith.constant 1 : i32
        %get3A_295 = arith.index_cast %get3A_294 : i32 to index
        %get3A_296 = arith.index_cast %add3A_293 : i32 to index
        %get3A_297 = arith.constant 16 : index
        %get3A_298 = tpu.vector_load %arg6[%get3A_295, %get3A_296, %get3A_297] {strides = array<i32>} : memref<4x200x64xf32, #tpu.memory_space<vmem>>, vector<1x1x16xf32>,
        %get3A_299 = vector.shape_cast %get3A_298 : vector<1x1x16xf32> to vector<16xf32>
        %mul3A_300 = arith.constant 8.000000e+00 : f32
        %mul3A_301 = vector.broadcast %mul3A_300 : f32 to vector<16xf32>
        %mul3A_302 = arith.mulf %get3A_299, %mul3A_301 : vector<16xf32>
        %swap3A_303 = arith.constant 1 : i32
        %swap3A_304 = arith.index_cast %swap3A_303 : i32 to index
        %swap3A_305 = arith.index_cast %add3A_293 : i32 to index
        %swap3A_306 = arith.constant 16 : index
        %swap3A_307 = tpu.vector_load %arg6[%swap3A_304, %swap3A_305, %swap3A_306] {strides = array<i32>} : memref<4x200x64xf32, #tpu.memory_space<vmem>>, vector<1x1x16xf32>,
        %swap3A_308 = vector.shape_cast %swap3A_307 : vector<1x1x16xf32> to vector<16xf32>
        %swap3A_309 = vector.shape_cast %mul3A_302 : vector<16xf32> to vector<1x1x16xf32>
        tpu.vector_store %arg6[%swap3A_304, %swap3A_305, %swap3A_306], %swap3A_309 {strides = array<i32>} : memref<4x200x64xf32, #tpu.memory_space<vmem>>, vector<1x1x16xf32>,
        %mul3A_310 = arith.constant 4 : i32
        %mul3A_311 = arith.muli %scan3A_271, %mul3A_310 : i32
        %add3A_312 = arith.constant 0 : i32
        %add3A_313 = arith.addi %mul3A_311, %add3A_312 : i32
        %get3A_314 = arith.constant 1 : i32
        %get3A_315 = arith.index_cast %get3A_314 : i32 to index
        %get3A_316 = arith.index_cast %add3A_313 : i32 to index
        %get3A_317 = arith.constant 32 : index
        %get3A_318 = tpu.vector_load %arg6[%get3A_315, %get3A_316, %get3A_317] {strides = array<i32>} : memref<4x200x64xf32, #tpu.memory_space<vmem>>, vector<1x1x16xf32>,
        %get3A_319 = vector.shape_cast %get3A_318 : vector<1x1x16xf32> to vector<16xf32>
        %mul3A_320 = arith.constant 8.000000e+00 : f32
        %mul3A_321 = vector.broadcast %mul3A_320 : f32 to vector<16xf32>
        %mul3A_322 = arith.mulf %get3A_319, %mul3A_321 : vector<16xf32>
        %swap3A_323 = arith.constant 1 : i32
        %swap3A_324 = arith.index_cast %swap3A_323 : i32 to index
        %swap3A_325 = arith.index_cast %add3A_313 : i32 to index
        %swap3A_326 = arith.constant 32 : index
        %swap3A_327 = tpu.vector_load %arg6[%swap3A_324, %swap3A_325, %swap3A_326] {strides = array<i32>} : memref<4x200x64xf32, #tpu.memory_space<vmem>>, vector<1x1x16xf32>,
        %swap3A_328 = vector.shape_cast %swap3A_327 : vector<1x1x16xf32> to vector<16xf32>
        %swap3A_329 = vector.shape_cast %mul3A_322 : vector<16xf32> to vector<1x1x16xf32>
        tpu.vector_store %arg6[%swap3A_324, %swap3A_325, %swap3A_326], %swap3A_329 {strides = array<i32>} : memref<4x200x64xf32, #tpu.memory_space<vmem>>, vector<1x1x16xf32>,
        %mul3A_330 = arith.constant 4 : i32
        %mul3A_331 = arith.muli %scan3A_271, %mul3A_330 : i32
        %add3A_332 = arith.constant 0 : i32
        %add3A_333 = arith.addi %mul3A_331, %add3A_332 : i32
        %get3A_334 = arith.constant 1 : i32
        %get3A_335 = arith.index_cast %get3A_334 : i32 to index
        %get3A_336 = arith.index_cast %add3A_333 : i32 to index
        %get3A_337 = arith.constant 48 : index
        %get3A_338 = tpu.vector_load %arg6[%get3A_335, %get3A_336, %get3A_337] {strides = array<i32>} : memref<4x200x64xf32, #tpu.memory_space<vmem>>, vector<1x1x16xf32>,
        %get3A_339 = vector.shape_cast %get3A_338 : vector<1x1x16xf32> to vector<16xf32>
        %mul3A_340 = arith.constant 8.000000e+00 : f32
        %mul3A_341 = vector.broadcast %mul3A_340 : f32 to vector<16xf32>
        %mul3A_342 = arith.mulf %get3A_339, %mul3A_341 : vector<16xf32>
        %swap3A_343 = arith.constant 1 : i32
        %swap3A_344 = arith.index_cast %swap3A_343 : i32 to index
        %swap3A_345 = arith.index_cast %add3A_333 : i32 to index
        %swap3A_346 = arith.constant 48 : index
        %swap3A_347 = tpu.vector_load %arg6[%swap3A_344, %swap3A_345, %swap3A_346] {strides = array<i32>} : memref<4x200x64xf32, #tpu.memory_space<vmem>>, vector<1x1x16xf32>,
        %swap3A_348 = vector.shape_cast %swap3A_347 : vector<1x1x16xf32> to vector<16xf32>
        %swap3A_349 = vector.shape_cast %mul3A_342 : vector<16xf32> to vector<1x1x16xf32>
        tpu.vector_store %arg6[%swap3A_344, %swap3A_345, %swap3A_346], %swap3A_349 {strides = array<i32>} : memref<4x200x64xf32, #tpu.memory_space<vmem>>, vector<1x1x16xf32>,
        %mul3A_350 = arith.constant 4 : i32
        %mul3A_351 = arith.muli %scan3A_271, %mul3A_350 : i32
        %add3A_352 = arith.constant 1 : i32
        %add3A_353 = arith.addi %mul3A_351, %add3A_352 : i32
        %get3A_354 = arith.constant 1 : i32
        %get3A_355 = arith.index_cast %get3A_354 : i32 to index
        %get3A_356 = arith.index_cast %add3A_353 : i32 to index
        %get3A_357 = arith.constant 0 : index
        %get3A_358 = tpu.vector_load %arg6[%get3A_355, %get3A_356, %get3A_357] {strides = array<i32>} : memref<4x200x64xf32, #tpu.memory_space<vmem>>, vector<1x1x16xf32>,
        %get3A_359 = vector.shape_cast %get3A_358 : vector<1x1x16xf32> to vector<16xf32>
        %mul3A_360 = arith.constant 8.000000e+00 : f32
        %mul3A_361 = vector.broadcast %mul3A_360 : f32 to vector<16xf32>
        %mul3A_362 = arith.mulf %get3A_359, %mul3A_361 : vector<16xf32>
        %swap3A_363 = arith.constant 1 : i32
        %swap3A_364 = arith.index_cast %swap3A_363 : i32 to index
        %swap3A_365 = arith.index_cast %add3A_353 : i32 to index
        %swap3A_366 = arith.constant 0 : index
        %swap3A_367 = tpu.vector_load %arg6[%swap3A_364, %swap3A_365, %swap3A_366] {strides = array<i32>} : memref<4x200x64xf32, #tpu.memory_space<vmem>>, vector<1x1x16xf32>,
        %swap3A_368 = vector.shape_cast %swap3A_367 : vector<1x1x16xf32> to vector<16xf32>
        %swap3A_369 = vector.shape_cast %mul3A_362 : vector<16xf32> to vector<1x1x16xf32>
        tpu.vector_store %arg6[%swap3A_364, %swap3A_365, %swap3A_366], %swap3A_369 {strides = array<i32>} : memref<4x200x64xf32, #tpu.memory_space<vmem>>, vector<1x1x16xf32>,
        %mul3A_370 = arith.constant 4 : i32
        %mul3A_371 = arith.muli %scan3A_271, %mul3A_370 : i32
        %add3A_372 = arith.constant 1 : i32
        %add3A_373 = arith.addi %mul3A_371, %add3A_372 : i32
        %get3A_374 = arith.constant 1 : i32
        %get3A_375 = arith.index_cast %get3A_374 : i32 to index
        %get3A_376 = arith.index_cast %add3A_373 : i32 to index
        %get3A_377 = arith.constant 16 : index
        %get3A_378 = tpu.vector_load %arg6[%get3A_375, %get3A_376, %get3A_377] {strides = array<i32>} : memref<4x200x64xf32, #tpu.memory_space<vmem>>, vector<1x1x16xf32>,
        %get3A_379 = vector.shape_cast %get3A_378 : vector<1x1x16xf32> to vector<16xf32>
        %mul3A_380 = arith.constant 8.000000e+00 : f32
        %mul3A_381 = vector.broadcast %mul3A_380 : f32 to vector<16xf32>
        %mul3A_382 = arith.mulf %get3A_379, %mul3A_381 : vector<16xf32>
        %swap3A_383 = arith.constant 1 : i32
        %swap3A_384 = arith.index_cast %swap3A_383 : i32 to index
        %swap3A_385 = arith.index_cast %add3A_373 : i32 to index
        %swap3A_386 = arith.constant 16 : index
        %swap3A_387 = tpu.vector_load %arg6[%swap3A_384, %swap3A_385, %swap3A_386] {strides = array<i32>} : memref<4x200x64xf32, #tpu.memory_space<vmem>>, vector<1x1x16xf32>,
        %swap3A_388 = vector.shape_cast %swap3A_387 : vector<1x1x16xf32> to vector<16xf32>
        %swap3A_389 = vector.shape_cast %mul3A_382 : vector<16xf32> to vector<1x1x16xf32>
        tpu.vector_store %arg6[%swap3A_384, %swap3A_385, %swap3A_386], %swap3A_389 {strides = array<i32>} : memref<4x200x64xf32, #tpu.memory_space<vmem>>, vector<1x1x16xf32>,
        %mul3A_390 = arith.constant 4 : i32
        %mul3A_391 = arith.muli %scan3A_271, %mul3A_390 : i32
        %add3A_392 = arith.constant 1 : i32
        %add3A_393 = arith.addi %mul3A_391, %add3A_392 : i32
        %get3A_394 = arith.constant 1 : i32
        %get3A_395 = arith.index_cast %get3A_394 : i32 to index
        %get3A_396 = arith.index_cast %add3A_393 : i32 to index
        %get3A_397 = arith.constant 32 : index
        %get3A_398 = tpu.vector_load %arg6[%get3A_395, %get3A_396, %get3A_397] {strides = array<i32>} : memref<4x200x64xf32, #tpu.memory_space<vmem>>, vector<1x1x16xf32>,
        %get3A_399 = vector.shape_cast %get3A_398 : vector<1x1x16xf32> to vector<16xf32>
        %mul3A_400 = arith.constant 8.000000e+00 : f32
        %mul3A_401 = vector.broadcast %mul3A_400 : f32 to vector<16xf32>
        %mul3A_402 = arith.mulf %get3A_399, %mul3A_401 : vector<16xf32>
        %swap3A_403 = arith.constant 1 : i32
        %swap3A_404 = arith.index_cast %swap3A_403 : i32 to index
        %swap3A_405 = arith.index_cast %add3A_393 : i32 to index
        %swap3A_406 = arith.constant 32 : index
        %swap3A_407 = tpu.vector_load %arg6[%swap3A_404, %swap3A_405, %swap3A_406] {strides = array<i32>} : memref<4x200x64xf32, #tpu.memory_space<vmem>>, vector<1x1x16xf32>,
        %swap3A_408 = vector.shape_cast %swap3A_407 : vector<1x1x16xf32> to vector<16xf32>
        %swap3A_409 = vector.shape_cast %mul3A_402 : vector<16xf32> to vector<1x1x16xf32>
        tpu.vector_store %arg6[%swap3A_404, %swap3A_405, %swap3A_406], %swap3A_409 {strides = array<i32>} : memref<4x200x64xf32, #tpu.memory_space<vmem>>, vector<1x1x16xf32>,
        %mul3A_410 = arith.constant 4 : i32
        %mul3A_411 = arith.muli %scan3A_271, %mul3A_410 : i32
        %add3A_412 = arith.constant 1 : i32
        %add3A_413 = arith.addi %mul3A_411, %add3A_412 : i32
        %get3A_414 = arith.constant 1 : i32
        %get3A_415 = arith.index_cast %get3A_414 : i32 to index
        %get3A_416 = arith.index_cast %add3A_413 : i32 to index
        %get3A_417 = arith.constant 48 : index
        %get3A_418 = tpu.vector_load %arg6[%get3A_415, %get3A_416, %get3A_417] {strides = array<i32>} : memref<4x200x64xf32, #tpu.memory_space<vmem>>, vector<1x1x16xf32>,
        %get3A_419 = vector.shape_cast %get3A_418 : vector<1x1x16xf32> to vector<16xf32>
        %mul3A_420 = arith.constant 8.000000e+00 : f32
        %mul3A_421 = vector.broadcast %mul3A_420 : f32 to vector<16xf32>
        %mul3A_422 = arith.mulf %get3A_419, %mul3A_421 : vector<16xf32>
        %swap3A_423 = arith.constant 1 : i32
        %swap3A_424 = arith.index_cast %swap3A_423 : i32 to index
        %swap3A_425 = arith.index_cast %add3A_413 : i32 to index
        %swap3A_426 = arith.constant 48 : index
        %swap3A_427 = tpu.vector_load %arg6[%swap3A_424, %swap3A_425, %swap3A_426] {strides = array<i32>} : memref<4x200x64xf32, #tpu.memory_space<vmem>>, vector<1x1x16xf32>,
        %swap3A_428 = vector.shape_cast %swap3A_427 : vector<1x1x16xf32> to vector<16xf32>
        %swap3A_429 = vector.shape_cast %mul3A_422 : vector<16xf32> to vector<1x1x16xf32>
        tpu.vector_store %arg6[%swap3A_424, %swap3A_425, %swap3A_426], %swap3A_429 {strides = array<i32>} : memref<4x200x64xf32, #tpu.memory_space<vmem>>, vector<1x1x16xf32>,
        %mul3A_430 = arith.constant 4 : i32
        %mul3A_431 = arith.muli %scan3A_271, %mul3A_430 : i32
        %add3A_432 = arith.constant 2 : i32
        %add3A_433 = arith.addi %mul3A_431, %add3A_432 : i32
        %get3A_434 = arith.constant 1 : i32
        %get3A_435 = arith.index_cast %get3A_434 : i32 to index
        %get3A_436 = arith.index_cast %add3A_433 : i32 to index
        %get3A_437 = arith.constant 0 : index
        %get3A_438 = tpu.vector_load %arg6[%get3A_435, %get3A_436, %get3A_437] {strides = array<i32>} : memref<4x200x64xf32, #tpu.memory_space<vmem>>, vector<1x1x16xf32>,
        %get3A_439 = vector.shape_cast %get3A_438 : vector<1x1x16xf32> to vector<16xf32>
        %mul3A_440 = arith.constant 8.000000e+00 : f32
        %mul3A_441 = vector.broadcast %mul3A_440 : f32 to vector<16xf32>
        %mul3A_442 = arith.mulf %get3A_439, %mul3A_441 : vector<16xf32>
        %swap3A_443 = arith.constant 1 : i32
        %swap3A_444 = arith.index_cast %swap3A_443 : i32 to index
        %swap3A_445 = arith.index_cast %add3A_433 : i32 to index
        %swap3A_446 = arith.constant 0 : index
        %swap3A_447 = tpu.vector_load %arg6[%swap3A_444, %swap3A_445, %swap3A_446] {strides = array<i32>} : memref<4x200x64xf32, #tpu.memory_space<vmem>>, vector<1x1x16xf32>,
        %swap3A_448 = vector.shape_cast %swap3A_447 : vector<1x1x16xf32> to vector<16xf32>
        %swap3A_449 = vector.shape_cast %mul3A_442 : vector<16xf32> to vector<1x1x16xf32>
        tpu.vector_store %arg6[%swap3A_444, %swap3A_445, %swap3A_446], %swap3A_449 {strides = array<i32>} : memref<4x200x64xf32, #tpu.memory_space<vmem>>, vector<1x1x16xf32>,
        %mul3A_450 = arith.constant 4 : i32
        %mul3A_451 = arith.muli %scan3A_271, %mul3A_450 : i32
        %add3A_452 = arith.constant 2 : i32
        %add3A_453 = arith.addi %mul3A_451, %add3A_452 : i32
        %get3A_454 = arith.constant 1 : i32
        %get3A_455 = arith.index_cast %get3A_454 : i32 to index
        %get3A_456 = arith.index_cast %add3A_453 : i32 to index
        %get3A_457 = arith.constant 16 : index
        %get3A_458 = tpu.vector_load %arg6[%get3A_455, %get3A_456, %get3A_457] {strides = array<i32>} : memref<4x200x64xf32, #tpu.memory_space<vmem>>, vector<1x1x16xf32>,
        %get3A_459 = vector.shape_cast %get3A_458 : vector<1x1x16xf32> to vector<16xf32>
        %mul3A_460 = arith.constant 8.000000e+00 : f32
        %mul3A_461 = vector.broadcast %mul3A_460 : f32 to vector<16xf32>
        %mul3A_462 = arith.mulf %get3A_459, %mul3A_461 : vector<16xf32>
        %swap3A_463 = arith.constant 1 : i32
        %swap3A_464 = arith.index_cast %swap3A_463 : i32 to index
        %swap3A_465 = arith.index_cast %add3A_453 : i32 to index
        %swap3A_466 = arith.constant 16 : index
        %swap3A_467 = tpu.vector_load %arg6[%swap3A_464, %swap3A_465, %swap3A_466] {strides = array<i32>} : memref<4x200x64xf32, #tpu.memory_space<vmem>>, vector<1x1x16xf32>,
        %swap3A_468 = vector.shape_cast %swap3A_467 : vector<1x1x16xf32> to vector<16xf32>
        %swap3A_469 = vector.shape_cast %mul3A_462 : vector<16xf32> to vector<1x1x16xf32>
        tpu.vector_store %arg6[%swap3A_464, %swap3A_465, %swap3A_466], %swap3A_469 {strides = array<i32>} : memref<4x200x64xf32, #tpu.memory_space<vmem>>, vector<1x1x16xf32>,
        %mul3A_470 = arith.constant 4 : i32
        %mul3A_471 = arith.muli %scan3A_271, %mul3A_470 : i32
        %add3A_472 = arith.constant 2 : i32
        %add3A_473 = arith.addi %mul3A_471, %add3A_472 : i32
        %get3A_474 = arith.constant 1 : i32
        %get3A_475 = arith.index_cast %get3A_474 : i32 to index
        %get3A_476 = arith.index_cast %add3A_473 : i32 to index
        %get3A_477 = arith.constant 32 : index
        %get3A_478 = tpu.vector_load %arg6[%get3A_475, %get3A_476, %get3A_477] {strides = array<i32>} : memref<4x200x64xf32, #tpu.memory_space<vmem>>, vector<1x1x16xf32>,
        %get3A_479 = vector.shape_cast %get3A_478 : vector<1x1x16xf32> to vector<16xf32>
        %mul3A_480 = arith.constant 8.000000e+00 : f32
        %mul3A_481 = vector.broadcast %mul3A_480 : f32 to vector<16xf32>
        %mul3A_482 = arith.mulf %get3A_479, %mul3A_481 : vector<16xf32>
        %swap3A_483 = arith.constant 1 : i32
        %swap3A_484 = arith.index_cast %swap3A_483 : i32 to index
        %swap3A_485 = arith.index_cast %add3A_473 : i32 to index
        %swap3A_486 = arith.constant 32 : index
        %swap3A_487 = tpu.vector_load %arg6[%swap3A_484, %swap3A_485, %swap3A_486] {strides = array<i32>} : memref<4x200x64xf32, #tpu.memory_space<vmem>>, vector<1x1x16xf32>,
        %swap3A_488 = vector.shape_cast %swap3A_487 : vector<1x1x16xf32> to vector<16xf32>
        %swap3A_489 = vector.shape_cast %mul3A_482 : vector<16xf32> to vector<1x1x16xf32>
        tpu.vector_store %arg6[%swap3A_484, %swap3A_485, %swap3A_486], %swap3A_489 {strides = array<i32>} : memref<4x200x64xf32, #tpu.memory_space<vmem>>, vector<1x1x16xf32>,
        %mul3A_490 = arith.constant 4 : i32
        %mul3A_491 = arith.muli %scan3A_271, %mul3A_490 : i32
        %add3A_492 = arith.constant 2 : i32
        %add3A_493 = arith.addi %mul3A_491, %add3A_492 : i32
        %get3A_494 = arith.constant 1 : i32
        %get3A_495 = arith.index_cast %get3A_494 : i32 to index
        %get3A_496 = arith.index_cast %add3A_493 : i32 to index
        %get3A_497 = arith.constant 48 : index
        %get3A_498 = tpu.vector_load %arg6[%get3A_495, %get3A_496, %get3A_497] {strides = array<i32>} : memref<4x200x64xf32, #tpu.memory_space<vmem>>, vector<1x1x16xf32>,
        %get3A_499 = vector.shape_cast %get3A_498 : vector<1x1x16xf32> to vector<16xf32>
        %mul3A_500 = arith.constant 8.000000e+00 : f32
        %mul3A_501 = vector.broadcast %mul3A_500 : f32 to vector<16xf32>
        %mul3A_502 = arith.mulf %get3A_499, %mul3A_501 : vector<16xf32>
        %swap3A_503 = arith.constant 1 : i32
        %swap3A_504 = arith.index_cast %swap3A_503 : i32 to index
        %swap3A_505 = arith.index_cast %add3A_493 : i32 to index
        %swap3A_506 = arith.constant 48 : index
        %swap3A_507 = tpu.vector_load %arg6[%swap3A_504, %swap3A_505, %swap3A_506] {strides = array<i32>} : memref<4x200x64xf32, #tpu.memory_space<vmem>>, vector<1x1x16xf32>,
        %swap3A_508 = vector.shape_cast %swap3A_507 : vector<1x1x16xf32> to vector<16xf32>
        %swap3A_509 = vector.shape_cast %mul3A_502 : vector<16xf32> to vector<1x1x16xf32>
        tpu.vector_store %arg6[%swap3A_504, %swap3A_505, %swap3A_506], %swap3A_509 {strides = array<i32>} : memref<4x200x64xf32, #tpu.memory_space<vmem>>, vector<1x1x16xf32>,
        %mul3A_510 = arith.constant 4 : i32
        %mul3A_511 = arith.muli %scan3A_271, %mul3A_510 : i32
        %add3A_512 = arith.constant 3 : i32
        %add3A_513 = arith.addi %mul3A_511, %add3A_512 : i32
        %get3A_514 = arith.constant 1 : i32
        %get3A_515 = arith.index_cast %get3A_514 : i32 to index
        %get3A_516 = arith.index_cast %add3A_513 : i32 to index
        %get3A_517 = arith.constant 0 : index
        %get3A_518 = tpu.vector_load %arg6[%get3A_515, %get3A_516, %get3A_517] {strides = array<i32>} : memref<4x200x64xf32, #tpu.memory_space<vmem>>, vector<1x1x16xf32>,
        %get3A_519 = vector.shape_cast %get3A_518 : vector<1x1x16xf32> to vector<16xf32>
        %mul3A_520 = arith.constant 8.000000e+00 : f32
        %mul3A_521 = vector.broadcast %mul3A_520 : f32 to vector<16xf32>
        %mul3A_522 = arith.mulf %get3A_519, %mul3A_521 : vector<16xf32>
        %swap3A_523 = arith.constant 1 : i32
        %swap3A_524 = arith.index_cast %swap3A_523 : i32 to index
        %swap3A_525 = arith.index_cast %add3A_513 : i32 to index
        %swap3A_526 = arith.constant 0 : index
        %swap3A_527 = tpu.vector_load %arg6[%swap3A_524, %swap3A_525, %swap3A_526] {strides = array<i32>} : memref<4x200x64xf32, #tpu.memory_space<vmem>>, vector<1x1x16xf32>,
        %swap3A_528 = vector.shape_cast %swap3A_527 : vector<1x1x16xf32> to vector<16xf32>
        %swap3A_529 = vector.shape_cast %mul3A_522 : vector<16xf32> to vector<1x1x16xf32>
        tpu.vector_store %arg6[%swap3A_524, %swap3A_525, %swap3A_526], %swap3A_529 {strides = array<i32>} : memref<4x200x64xf32, #tpu.memory_space<vmem>>, vector<1x1x16xf32>,
        %mul3A_530 = arith.constant 4 : i32
        %mul3A_531 = arith.muli %scan3A_271, %mul3A_530 : i32
        %add3A_532 = arith.constant 3 : i32
        %add3A_533 = arith.addi %mul3A_531, %add3A_532 : i32
        %get3A_534 = arith.constant 1 : i32
        %get3A_535 = arith.index_cast %get3A_534 : i32 to index
        %get3A_536 = arith.index_cast %add3A_533 : i32 to index
        %get3A_537 = arith.constant 16 : index
        %get3A_538 = tpu.vector_load %arg6[%get3A_535, %get3A_536, %get3A_537] {strides = array<i32>} : memref<4x200x64xf32, #tpu.memory_space<vmem>>, vector<1x1x16xf32>,
        %get3A_539 = vector.shape_cast %get3A_538 : vector<1x1x16xf32> to vector<16xf32>
        %mul3A_540 = arith.constant 8.000000e+00 : f32
        %mul3A_541 = vector.broadcast %mul3A_540 : f32 to vector<16xf32>
        %mul3A_542 = arith.mulf %get3A_539, %mul3A_541 : vector<16xf32>
        %swap3A_543 = arith.constant 1 : i32
        %swap3A_544 = arith.index_cast %swap3A_543 : i32 to index
        %swap3A_545 = arith.index_cast %add3A_533 : i32 to index
        %swap3A_546 = arith.constant 16 : index
        %swap3A_547 = tpu.vector_load %arg6[%swap3A_544, %swap3A_545, %swap3A_546] {strides = array<i32>} : memref<4x200x64xf32, #tpu.memory_space<vmem>>, vector<1x1x16xf32>,
        %swap3A_548 = vector.shape_cast %swap3A_547 : vector<1x1x16xf32> to vector<16xf32>
        %swap3A_549 = vector.shape_cast %mul3A_542 : vector<16xf32> to vector<1x1x16xf32>
        tpu.vector_store %arg6[%swap3A_544, %swap3A_545, %swap3A_546], %swap3A_549 {strides = array<i32>} : memref<4x200x64xf32, #tpu.memory_space<vmem>>, vector<1x1x16xf32>,
        %mul3A_550 = arith.constant 4 : i32
        %mul3A_551 = arith.muli %scan3A_271, %mul3A_550 : i32
        %add3A_552 = arith.constant 3 : i32
        %add3A_553 = arith.addi %mul3A_551, %add3A_552 : i32
        %get3A_554 = arith.constant 1 : i32
        %get3A_555 = arith.index_cast %get3A_554 : i32 to index
        %get3A_556 = arith.index_cast %add3A_553 : i32 to index
        %get3A_557 = arith.constant 32 : index
        %get3A_558 = tpu.vector_load %arg6[%get3A_555, %get3A_556, %get3A_557] {strides = array<i32>} : memref<4x200x64xf32, #tpu.memory_space<vmem>>, vector<1x1x16xf32>,
        %get3A_559 = vector.shape_cast %get3A_558 : vector<1x1x16xf32> to vector<16xf32>
        %mul3A_560 = arith.constant 8.000000e+00 : f32
        %mul3A_561 = vector.broadcast %mul3A_560 : f32 to vector<16xf32>
        %mul3A_562 = arith.mulf %get3A_559, %mul3A_561 : vector<16xf32>
        %swap3A_563 = arith.constant 1 : i32
        %swap3A_564 = arith.index_cast %swap3A_563 : i32 to index
        %swap3A_565 = arith.index_cast %add3A_553 : i32 to index
        %swap3A_566 = arith.constant 32 : index
        %swap3A_567 = tpu.vector_load %arg6[%swap3A_564, %swap3A_565, %swap3A_566] {strides = array<i32>} : memref<4x200x64xf32, #tpu.memory_space<vmem>>, vector<1x1x16xf32>,
        %swap3A_568 = vector.shape_cast %swap3A_567 : vector<1x1x16xf32> to vector<16xf32>
        %swap3A_569 = vector.shape_cast %mul3A_562 : vector<16xf32> to vector<1x1x16xf32>
        tpu.vector_store %arg6[%swap3A_564, %swap3A_565, %swap3A_566], %swap3A_569 {strides = array<i32>} : memref<4x200x64xf32, #tpu.memory_space<vmem>>, vector<1x1x16xf32>,
        %mul3A_570 = arith.constant 4 : i32
        %mul3A_571 = arith.muli %scan3A_271, %mul3A_570 : i32
        %add3A_572 = arith.constant 3 : i32
        %add3A_573 = arith.addi %mul3A_571, %add3A_572 : i32
        %get3A_574 = arith.constant 1 : i32
        %get3A_575 = arith.index_cast %get3A_574 : i32 to index
        %get3A_576 = arith.index_cast %add3A_573 : i32 to index
        %get3A_577 = arith.constant 48 : index
        %get3A_578 = tpu.vector_load %arg6[%get3A_575, %get3A_576, %get3A_577] {strides = array<i32>} : memref<4x200x64xf32, #tpu.memory_space<vmem>>, vector<1x1x16xf32>,
        %get3A_579 = vector.shape_cast %get3A_578 : vector<1x1x16xf32> to vector<16xf32>
        %mul3A_580 = arith.constant 8.000000e+00 : f32
        %mul3A_581 = vector.broadcast %mul3A_580 : f32 to vector<16xf32>
        %mul3A_582 = arith.mulf %get3A_579, %mul3A_581 : vector<16xf32>
        %swap3A_583 = arith.constant 1 : i32
        %swap3A_584 = arith.index_cast %swap3A_583 : i32 to index
        %swap3A_585 = arith.index_cast %add3A_573 : i32 to index
        %swap3A_586 = arith.constant 48 : index
        %swap3A_587 = tpu.vector_load %arg6[%swap3A_584, %swap3A_585, %swap3A_586] {strides = array<i32>} : memref<4x200x64xf32, #tpu.memory_space<vmem>>, vector<1x1x16xf32>,
        %swap3A_588 = vector.shape_cast %swap3A_587 : vector<1x1x16xf32> to vector<16xf32>
        %swap3A_589 = vector.shape_cast %mul3A_582 : vector<16xf32> to vector<1x1x16xf32>
        tpu.vector_store %arg6[%swap3A_584, %swap3A_585, %swap3A_586], %swap3A_589 {strides = array<i32>} : memref<4x200x64xf32, #tpu.memory_space<vmem>>, vector<1x1x16xf32>,
      }
      %scan3A_112 = arith.constant 50 : i32
      %add3A_113 = arith.addi %mul3A_2, %mul3A_12 : i32
      %add3A_114 = arith.constant 1 : i32
      %add3A_115 = arith.addi %add3A_113, %add3A_114 : i32
      %dma_start3A_116 = arith.constant 1 : i32
      %dma_start3A_117 = arith.constant 0 : i32
      %dma_start3A_118 = arith.constant 0 : i32
      %dma_start3A_119 = tpu.memref_slice %arg6[%dma_start3A_116, %dma_start3A_117, %dma_start3A_118] : memref<4x200x64xf32, #tpu.memory_space<vmem>> -> memref<1x200x64xf32, #tpu.memory_space<vmem>>
      %dma_start3A_120 = tpu.memref_squeeze %dma_start3A_119 : memref<1x200x64xf32, #tpu.memory_space<vmem>> -> memref<200x64xf32, #tpu.memory_space<vmem>>
      %dma_start3A_121 = arith.constant 0 : i32
      %dma_start3A_122 = arith.constant 0 : i32
      %dma_start3A_123 = tpu.memref_slice %arg4[%add3A_115, %dma_start3A_121, %dma_start3A_122] : memref<4096x200x64xf32, #tpu.memory_space<hbm>> -> memref<1x200x64xf32, #tpu.memory_space<hbm>>
      %dma_start3A_124 = tpu.memref_squeeze %dma_start3A_123 : memref<1x200x64xf32, #tpu.memory_space<hbm>> -> memref<200x64xf32, #tpu.memory_space<hbm>>
      %dma_start3A_125 = arith.constant 0 : i32
      %dma_start3A_126 = arith.constant 0 : i32
      %dma_start3A_127 = tpu.memref_slice %arg4[%add3A_115, %dma_start3A_125, %dma_start3A_126] : memref<4096x200x64xf32, #tpu.memory_space<hbm>> -> memref<1x200x64xf32, #tpu.memory_space<hbm>>
      %dma_start3A_128 = tpu.memref_squeeze %dma_start3A_127 : memref<1x200x64xf32, #tpu.memory_space<hbm>> -> memref<200x64xf32, #tpu.memory_space<hbm>>
      %dma_start3A_129 = arith.constant 0 : i32
      %dma_start3A_130 = arith.constant 0 : i32
      %dma_start3A_131 = tpu.memref_slice %arg6[%dma_start3A_116, %dma_start3A_129, %dma_start3A_130] : memref<4x200x64xf32, #tpu.memory_space<vmem>> -> memref<1x200x64xf32, #tpu.memory_space<vmem>>
      %dma_start3A_132 = tpu.memref_squeeze %dma_start3A_131 : memref<1x200x64xf32, #tpu.memory_space<vmem>> -> memref<200x64xf32, #tpu.memory_space<vmem>>
      tpu.enqueue_dma source(%dma_start3A_132 : memref<200x64xf32, #tpu.memory_space<vmem>>) target(%dma_start3A_128 : memref<200x64xf32, #tpu.memory_space<hbm>>) target_semaphore(%arg11 : memref<!tpu.dma_semaphore, #tpu.memory_space<semaphore_mem>>)
      %dma_wait3A_133 = arith.constant 2 : i32
      %dma_wait3A_134 = arith.constant 0 : i32
      %dma_wait3A_135 = arith.constant 0 : i32
      %dma_wait3A_136 = tpu.memref_slice %arg6[%dma_wait3A_133, %dma_wait3A_134, %dma_wait3A_135] : memref<4x200x64xf32, #tpu.memory_space<vmem>> -> memref<1x200x64xf32, #tpu.memory_space<vmem>>
      %dma_wait3A_137 = tpu.memref_squeeze %dma_wait3A_136 : memref<1x200x64xf32, #tpu.memory_space<vmem>> -> memref<200x64xf32, #tpu.memory_space<vmem>>
      %dma_wait3A_138 = tpu.memref_slice %arg5[%mul3A_41] : memref<25600xi32, #tpu.memory_space<vmem>> -> memref<200xi32, #tpu.memory_space<vmem>>
      %dma_wait3A_139 = arith.constant 0 : i32
      %dma_wait3A_140 = arith.constant 0 : i32
      %dma_wait3A_141 = tpu.memref_slice %arg3[%dma_wait3A_139, %dma_wait3A_140] : memref<1000000x64xf32, #tpu.memory_space<hbm>> -> memref<1000000x64xf32, #tpu.memory_space<hbm>>
      tpu.wait_indirect_dma semaphore(%arg9 : memref<!tpu.dma_semaphore, #tpu.memory_space<semaphore_mem>>) src(%dma_wait3A_141 : memref<1000000x64xf32, #tpu.memory_space<hbm>>) dst(%dma_wait3A_137 : memref<200x64xf32, #tpu.memory_space<vmem>>)
      %scan3A_142 = arith.constant 0 : i32
      %scan3A_143 = arith.constant 0 : i32
      %scan3A_144 = arith.constant 50 : i32
      %scan3A_145 = arith.addi %scan3A_143, %scan3A_144 : i32
      %scan3A_146 = arith.constant 1 : i32
      scf.for %scan3A_271 = %scan3A_143 to %scan3A_145 step %scan3A_146  : i32 {
        %mul3A_272 = arith.constant 4 : i32
        %mul3A_273 = arith.muli %scan3A_271, %mul3A_272 : i32
        %add3A_274 = arith.constant 0 : i32
        %add3A_275 = arith.addi %mul3A_273, %add3A_274 : i32
        %get3A = arith.constant 2 : i32
        %get3A_276 = arith.index_cast %get3A : i32 to index
        %get3A_277 = arith.index_cast %add3A_275 : i32 to index
        %get3A_278 = arith.constant 0 : index
        %get3A_279 = tpu.vector_load %arg6[%get3A_276, %get3A_277, %get3A_278] {strides = array<i32>} : memref<4x200x64xf32, #tpu.memory_space<vmem>>, vector<1x1x16xf32>,
        %get3A_280 = vector.shape_cast %get3A_279 : vector<1x1x16xf32> to vector<16xf32>
        %mul3A_281 = arith.constant 8.000000e+00 : f32
        %mul3A_282 = vector.broadcast %mul3A_281 : f32 to vector<16xf32>
        %mul3A_283 = arith.mulf %get3A_280, %mul3A_282 : vector<16xf32>
        %swap3A = arith.constant 2 : i32
        %swap3A_284 = arith.index_cast %swap3A : i32 to index
        %swap3A_285 = arith.index_cast %add3A_275 : i32 to index
        %swap3A_286 = arith.constant 0 : index
        %swap3A_287 = tpu.vector_load %arg6[%swap3A_284, %swap3A_285, %swap3A_286] {strides = array<i32>} : memref<4x200x64xf32, #tpu.memory_space<vmem>>, vector<1x1x16xf32>,
        %swap3A_288 = vector.shape_cast %swap3A_287 : vector<1x1x16xf32> to vector<16xf32>
        %swap3A_289 = vector.shape_cast %mul3A_283 : vector<16xf32> to vector<1x1x16xf32>
        tpu.vector_store %arg6[%swap3A_284, %swap3A_285, %swap3A_286], %swap3A_289 {strides = array<i32>} : memref<4x200x64xf32, #tpu.memory_space<vmem>>, vector<1x1x16xf32>,
        %mul3A_290 = arith.constant 4 : i32
        %mul3A_291 = arith.muli %scan3A_271, %mul3A_290 : i32
        %add3A_292 = arith.constant 0 : i32
        %add3A_293 = arith.addi %mul3A_291, %add3A_292 : i32
        %get3A_294 = arith.constant 2 : i32
        %get3A_295 = arith.index_cast %get3A_294 : i32 to index
        %get3A_296 = arith.index_cast %add3A_293 : i32 to index
        %get3A_297 = arith.constant 16 : index
        %get3A_298 = tpu.vector_load %arg6[%get3A_295, %get3A_296, %get3A_297] {strides = array<i32>} : memref<4x200x64xf32, #tpu.memory_space<vmem>>, vector<1x1x16xf32>,
        %get3A_299 = vector.shape_cast %get3A_298 : vector<1x1x16xf32> to vector<16xf32>
        %mul3A_300 = arith.constant 8.000000e+00 : f32
        %mul3A_301 = vector.broadcast %mul3A_300 : f32 to vector<16xf32>
        %mul3A_302 = arith.mulf %get3A_299, %mul3A_301 : vector<16xf32>
        %swap3A_303 = arith.constant 2 : i32
        %swap3A_304 = arith.index_cast %swap3A_303 : i32 to index
        %swap3A_305 = arith.index_cast %add3A_293 : i32 to index
        %swap3A_306 = arith.constant 16 : index
        %swap3A_307 = tpu.vector_load %arg6[%swap3A_304, %swap3A_305, %swap3A_306] {strides = array<i32>} : memref<4x200x64xf32, #tpu.memory_space<vmem>>, vector<1x1x16xf32>,
        %swap3A_308 = vector.shape_cast %swap3A_307 : vector<1x1x16xf32> to vector<16xf32>
        %swap3A_309 = vector.shape_cast %mul3A_302 : vector<16xf32> to vector<1x1x16xf32>
        tpu.vector_store %arg6[%swap3A_304, %swap3A_305, %swap3A_306], %swap3A_309 {strides = array<i32>} : memref<4x200x64xf32, #tpu.memory_space<vmem>>, vector<1x1x16xf32>,
        %mul3A_310 = arith.constant 4 : i32
        %mul3A_311 = arith.muli %scan3A_271, %mul3A_310 : i32
        %add3A_312 = arith.constant 0 : i32
        %add3A_313 = arith.addi %mul3A_311, %add3A_312 : i32
        %get3A_314 = arith.constant 2 : i32
        %get3A_315 = arith.index_cast %get3A_314 : i32 to index
        %get3A_316 = arith.index_cast %add3A_313 : i32 to index
        %get3A_317 = arith.constant 32 : index
        %get3A_318 = tpu.vector_load %arg6[%get3A_315, %get3A_316, %get3A_317] {strides = array<i32>} : memref<4x200x64xf32, #tpu.memory_space<vmem>>, vector<1x1x16xf32>,
        %get3A_319 = vector.shape_cast %get3A_318 : vector<1x1x16xf32> to vector<16xf32>
        %mul3A_320 = arith.constant 8.000000e+00 : f32
        %mul3A_321 = vector.broadcast %mul3A_320 : f32 to vector<16xf32>
        %mul3A_322 = arith.mulf %get3A_319, %mul3A_321 : vector<16xf32>
        %swap3A_323 = arith.constant 2 : i32
        %swap3A_324 = arith.index_cast %swap3A_323 : i32 to index
        %swap3A_325 = arith.index_cast %add3A_313 : i32 to index
        %swap3A_326 = arith.constant 32 : index
        %swap3A_327 = tpu.vector_load %arg6[%swap3A_324, %swap3A_325, %swap3A_326] {strides = array<i32>} : memref<4x200x64xf32, #tpu.memory_space<vmem>>, vector<1x1x16xf32>,
        %swap3A_328 = vector.shape_cast %swap3A_327 : vector<1x1x16xf32> to vector<16xf32>
        %swap3A_329 = vector.shape_cast %mul3A_322 : vector<16xf32> to vector<1x1x16xf32>
        tpu.vector_store %arg6[%swap3A_324, %swap3A_325, %swap3A_326], %swap3A_329 {strides = array<i32>} : memref<4x200x64xf32, #tpu.memory_space<vmem>>, vector<1x1x16xf32>,
        %mul3A_330 = arith.constant 4 : i32
        %mul3A_331 = arith.muli %scan3A_271, %mul3A_330 : i32
        %add3A_332 = arith.constant 0 : i32
        %add3A_333 = arith.addi %mul3A_331, %add3A_332 : i32
        %get3A_334 = arith.constant 2 : i32
        %get3A_335 = arith.index_cast %get3A_334 : i32 to index
        %get3A_336 = arith.index_cast %add3A_333 : i32 to index
        %get3A_337 = arith.constant 48 : index
        %get3A_338 = tpu.vector_load %arg6[%get3A_335, %get3A_336, %get3A_337] {strides = array<i32>} : memref<4x200x64xf32, #tpu.memory_space<vmem>>, vector<1x1x16xf32>,
        %get3A_339 = vector.shape_cast %get3A_338 : vector<1x1x16xf32> to vector<16xf32>
        %mul3A_340 = arith.constant 8.000000e+00 : f32
        %mul3A_341 = vector.broadcast %mul3A_340 : f32 to vector<16xf32>
        %mul3A_342 = arith.mulf %get3A_339, %mul3A_341 : vector<16xf32>
        %swap3A_343 = arith.constant 2 : i32
        %swap3A_344 = arith.index_cast %swap3A_343 : i32 to index
        %swap3A_345 = arith.index_cast %add3A_333 : i32 to index
        %swap3A_346 = arith.constant 48 : index
        %swap3A_347 = tpu.vector_load %arg6[%swap3A_344, %swap3A_345, %swap3A_346] {strides = array<i32>} : memref<4x200x64xf32, #tpu.memory_space<vmem>>, vector<1x1x16xf32>,
        %swap3A_348 = vector.shape_cast %swap3A_347 : vector<1x1x16xf32> to vector<16xf32>
        %swap3A_349 = vector.shape_cast %mul3A_342 : vector<16xf32> to vector<1x1x16xf32>
        tpu.vector_store %arg6[%swap3A_344, %swap3A_345, %swap3A_346], %swap3A_349 {strides = array<i32>} : memref<4x200x64xf32, #tpu.memory_space<vmem>>, vector<1x1x16xf32>,
        %mul3A_350 = arith.constant 4 : i32
        %mul3A_351 = arith.muli %scan3A_271, %mul3A_350 : i32
        %add3A_352 = arith.constant 1 : i32
        %add3A_353 = arith.addi %mul3A_351, %add3A_352 : i32
        %get3A_354 = arith.constant 2 : i32
        %get3A_355 = arith.index_cast %get3A_354 : i32 to index
        %get3A_356 = arith.index_cast %add3A_353 : i32 to index
        %get3A_357 = arith.constant 0 : index
        %get3A_358 = tpu.vector_load %arg6[%get3A_355, %get3A_356, %get3A_357] {strides = array<i32>} : memref<4x200x64xf32, #tpu.memory_space<vmem>>, vector<1x1x16xf32>,
        %get3A_359 = vector.shape_cast %get3A_358 : vector<1x1x16xf32> to vector<16xf32>
        %mul3A_360 = arith.constant 8.000000e+00 : f32
        %mul3A_361 = vector.broadcast %mul3A_360 : f32 to vector<16xf32>
        %mul3A_362 = arith.mulf %get3A_359, %mul3A_361 : vector<16xf32>
        %swap3A_363 = arith.constant 2 : i32
        %swap3A_364 = arith.index_cast %swap3A_363 : i32 to index
        %swap3A_365 = arith.index_cast %add3A_353 : i32 to index
        %swap3A_366 = arith.constant 0 : index
        %swap3A_367 = tpu.vector_load %arg6[%swap3A_364, %swap3A_365, %swap3A_366] {strides = array<i32>} : memref<4x200x64xf32, #tpu.memory_space<vmem>>, vector<1x1x16xf32>,
        %swap3A_368 = vector.shape_cast %swap3A_367 : vector<1x1x16xf32> to vector<16xf32>
        %swap3A_369 = vector.shape_cast %mul3A_362 : vector<16xf32> to vector<1x1x16xf32>
        tpu.vector_store %arg6[%swap3A_364, %swap3A_365, %swap3A_366], %swap3A_369 {strides = array<i32>} : memref<4x200x64xf32, #tpu.memory_space<vmem>>, vector<1x1x16xf32>,
        %mul3A_370 = arith.constant 4 : i32
        %mul3A_371 = arith.muli %scan3A_271, %mul3A_370 : i32
        %add3A_372 = arith.constant 1 : i32
        %add3A_373 = arith.addi %mul3A_371, %add3A_372 : i32
        %get3A_374 = arith.constant 2 : i32
        %get3A_375 = arith.index_cast %get3A_374 : i32 to index
        %get3A_376 = arith.index_cast %add3A_373 : i32 to index
        %get3A_377 = arith.constant 16 : index
        %get3A_378 = tpu.vector_load %arg6[%get3A_375, %get3A_376, %get3A_377] {strides = array<i32>} : memref<4x200x64xf32, #tpu.memory_space<vmem>>, vector<1x1x16xf32>,
        %get3A_379 = vector.shape_cast %get3A_378 : vector<1x1x16xf32> to vector<16xf32>
        %mul3A_380 = arith.constant 8.000000e+00 : f32
        %mul3A_381 = vector.broadcast %mul3A_380 : f32 to vector<16xf32>
        %mul3A_382 = arith.mulf %get3A_379, %mul3A_381 : vector<16xf32>
        %swap3A_383 = arith.constant 2 : i32
        %swap3A_384 = arith.index_cast %swap3A_383 : i32 to index
        %swap3A_385 = arith.index_cast %add3A_373 : i32 to index
        %swap3A_386 = arith.constant 16 : index
        %swap3A_387 = tpu.vector_load %arg6[%swap3A_384, %swap3A_385, %swap3A_386] {strides = array<i32>} : memref<4x200x64xf32, #tpu.memory_space<vmem>>, vector<1x1x16xf32>,
        %swap3A_388 = vector.shape_cast %swap3A_387 : vector<1x1x16xf32> to vector<16xf32>
        %swap3A_389 = vector.shape_cast %mul3A_382 : vector<16xf32> to vector<1x1x16xf32>
        tpu.vector_store %arg6[%swap3A_384, %swap3A_385, %swap3A_386], %swap3A_389 {strides = array<i32>} : memref<4x200x64xf32, #tpu.memory_space<vmem>>, vector<1x1x16xf32>,
        %mul3A_390 = arith.constant 4 : i32
        %mul3A_391 = arith.muli %scan3A_271, %mul3A_390 : i32
        %add3A_392 = arith.constant 1 : i32
        %add3A_393 = arith.addi %mul3A_391, %add3A_392 : i32
        %get3A_394 = arith.constant 2 : i32
        %get3A_395 = arith.index_cast %get3A_394 : i32 to index
        %get3A_396 = arith.index_cast %add3A_393 : i32 to index
        %get3A_397 = arith.constant 32 : index
        %get3A_398 = tpu.vector_load %arg6[%get3A_395, %get3A_396, %get3A_397] {strides = array<i32>} : memref<4x200x64xf32, #tpu.memory_space<vmem>>, vector<1x1x16xf32>,
        %get3A_399 = vector.shape_cast %get3A_398 : vector<1x1x16xf32> to vector<16xf32>
        %mul3A_400 = arith.constant 8.000000e+00 : f32
        %mul3A_401 = vector.broadcast %mul3A_400 : f32 to vector<16xf32>
        %mul3A_402 = arith.mulf %get3A_399, %mul3A_401 : vector<16xf32>
        %swap3A_403 = arith.constant 2 : i32
        %swap3A_404 = arith.index_cast %swap3A_403 : i32 to index
        %swap3A_405 = arith.index_cast %add3A_393 : i32 to index
        %swap3A_406 = arith.constant 32 : index
        %swap3A_407 = tpu.vector_load %arg6[%swap3A_404, %swap3A_405, %swap3A_406] {strides = array<i32>} : memref<4x200x64xf32, #tpu.memory_space<vmem>>, vector<1x1x16xf32>,
        %swap3A_408 = vector.shape_cast %swap3A_407 : vector<1x1x16xf32> to vector<16xf32>
        %swap3A_409 = vector.shape_cast %mul3A_402 : vector<16xf32> to vector<1x1x16xf32>
        tpu.vector_store %arg6[%swap3A_404, %swap3A_405, %swap3A_406], %swap3A_409 {strides = array<i32>} : memref<4x200x64xf32, #tpu.memory_space<vmem>>, vector<1x1x16xf32>,
        %mul3A_410 = arith.constant 4 : i32
        %mul3A_411 = arith.muli %scan3A_271, %mul3A_410 : i32
        %add3A_412 = arith.constant 1 : i32
        %add3A_413 = arith.addi %mul3A_411, %add3A_412 : i32
        %get3A_414 = arith.constant 2 : i32
        %get3A_415 = arith.index_cast %get3A_414 : i32 to index
        %get3A_416 = arith.index_cast %add3A_413 : i32 to index
        %get3A_417 = arith.constant 48 : index
        %get3A_418 = tpu.vector_load %arg6[%get3A_415, %get3A_416, %get3A_417] {strides = array<i32>} : memref<4x200x64xf32, #tpu.memory_space<vmem>>, vector<1x1x16xf32>,
        %get3A_419 = vector.shape_cast %get3A_418 : vector<1x1x16xf32> to vector<16xf32>
        %mul3A_420 = arith.constant 8.000000e+00 : f32
        %mul3A_421 = vector.broadcast %mul3A_420 : f32 to vector<16xf32>
        %mul3A_422 = arith.mulf %get3A_419, %mul3A_421 : vector<16xf32>
        %swap3A_423 = arith.constant 2 : i32
        %swap3A_424 = arith.index_cast %swap3A_423 : i32 to index
        %swap3A_425 = arith.index_cast %add3A_413 : i32 to index
        %swap3A_426 = arith.constant 48 : index
        %swap3A_427 = tpu.vector_load %arg6[%swap3A_424, %swap3A_425, %swap3A_426] {strides = array<i32>} : memref<4x200x64xf32, #tpu.memory_space<vmem>>, vector<1x1x16xf32>,
        %swap3A_428 = vector.shape_cast %swap3A_427 : vector<1x1x16xf32> to vector<16xf32>
        %swap3A_429 = vector.shape_cast %mul3A_422 : vector<16xf32> to vector<1x1x16xf32>
        tpu.vector_store %arg6[%swap3A_424, %swap3A_425, %swap3A_426], %swap3A_429 {strides = array<i32>} : memref<4x200x64xf32, #tpu.memory_space<vmem>>, vector<1x1x16xf32>,
        %mul3A_430 = arith.constant 4 : i32
        %mul3A_431 = arith.muli %scan3A_271, %mul3A_430 : i32
        %add3A_432 = arith.constant 2 : i32
        %add3A_433 = arith.addi %mul3A_431, %add3A_432 : i32
        %get3A_434 = arith.constant 2 : i32
        %get3A_435 = arith.index_cast %get3A_434 : i32 to index
        %get3A_436 = arith.index_cast %add3A_433 : i32 to index
        %get3A_437 = arith.constant 0 : index
        %get3A_438 = tpu.vector_load %arg6[%get3A_435, %get3A_436, %get3A_437] {strides = array<i32>} : memref<4x200x64xf32, #tpu.memory_space<vmem>>, vector<1x1x16xf32>,
        %get3A_439 = vector.shape_cast %get3A_438 : vector<1x1x16xf32> to vector<16xf32>
        %mul3A_440 = arith.constant 8.000000e+00 : f32
        %mul3A_441 = vector.broadcast %mul3A_440 : f32 to vector<16xf32>
        %mul3A_442 = arith.mulf %get3A_439, %mul3A_441 : vector<16xf32>
        %swap3A_443 = arith.constant 2 : i32
        %swap3A_444 = arith.index_cast %swap3A_443 : i32 to index
        %swap3A_445 = arith.index_cast %add3A_433 : i32 to index
        %swap3A_446 = arith.constant 0 : index
        %swap3A_447 = tpu.vector_load %arg6[%swap3A_444, %swap3A_445, %swap3A_446] {strides = array<i32>} : memref<4x200x64xf32, #tpu.memory_space<vmem>>, vector<1x1x16xf32>,
        %swap3A_448 = vector.shape_cast %swap3A_447 : vector<1x1x16xf32> to vector<16xf32>
        %swap3A_449 = vector.shape_cast %mul3A_442 : vector<16xf32> to vector<1x1x16xf32>
        tpu.vector_store %arg6[%swap3A_444, %swap3A_445, %swap3A_446], %swap3A_449 {strides = array<i32>} : memref<4x200x64xf32, #tpu.memory_space<vmem>>, vector<1x1x16xf32>,
        %mul3A_450 = arith.constant 4 : i32
        %mul3A_451 = arith.muli %scan3A_271, %mul3A_450 : i32
        %add3A_452 = arith.constant 2 : i32
        %add3A_453 = arith.addi %mul3A_451, %add3A_452 : i32
        %get3A_454 = arith.constant 2 : i32
        %get3A_455 = arith.index_cast %get3A_454 : i32 to index
        %get3A_456 = arith.index_cast %add3A_453 : i32 to index
        %get3A_457 = arith.constant 16 : index
        %get3A_458 = tpu.vector_load %arg6[%get3A_455, %get3A_456, %get3A_457] {strides = array<i32>} : memref<4x200x64xf32, #tpu.memory_space<vmem>>, vector<1x1x16xf32>,
        %get3A_459 = vector.shape_cast %get3A_458 : vector<1x1x16xf32> to vector<16xf32>
        %mul3A_460 = arith.constant 8.000000e+00 : f32
        %mul3A_461 = vector.broadcast %mul3A_460 : f32 to vector<16xf32>
        %mul3A_462 = arith.mulf %get3A_459, %mul3A_461 : vector<16xf32>
        %swap3A_463 = arith.constant 2 : i32
        %swap3A_464 = arith.index_cast %swap3A_463 : i32 to index
        %swap3A_465 = arith.index_cast %add3A_453 : i32 to index
        %swap3A_466 = arith.constant 16 : index
        %swap3A_467 = tpu.vector_load %arg6[%swap3A_464, %swap3A_465, %swap3A_466] {strides = array<i32>} : memref<4x200x64xf32, #tpu.memory_space<vmem>>, vector<1x1x16xf32>,
        %swap3A_468 = vector.shape_cast %swap3A_467 : vector<1x1x16xf32> to vector<16xf32>
        %swap3A_469 = vector.shape_cast %mul3A_462 : vector<16xf32> to vector<1x1x16xf32>
        tpu.vector_store %arg6[%swap3A_464, %swap3A_465, %swap3A_466], %swap3A_469 {strides = array<i32>} : memref<4x200x64xf32, #tpu.memory_space<vmem>>, vector<1x1x16xf32>,
        %mul3A_470 = arith.constant 4 : i32
        %mul3A_471 = arith.muli %scan3A_271, %mul3A_470 : i32
        %add3A_472 = arith.constant 2 : i32
        %add3A_473 = arith.addi %mul3A_471, %add3A_472 : i32
        %get3A_474 = arith.constant 2 : i32
        %get3A_475 = arith.index_cast %get3A_474 : i32 to index
        %get3A_476 = arith.index_cast %add3A_473 : i32 to index
        %get3A_477 = arith.constant 32 : index
        %get3A_478 = tpu.vector_load %arg6[%get3A_475, %get3A_476, %get3A_477] {strides = array<i32>} : memref<4x200x64xf32, #tpu.memory_space<vmem>>, vector<1x1x16xf32>,
        %get3A_479 = vector.shape_cast %get3A_478 : vector<1x1x16xf32> to vector<16xf32>
        %mul3A_480 = arith.constant 8.000000e+00 : f32
        %mul3A_481 = vector.broadcast %mul3A_480 : f32 to vector<16xf32>
        %mul3A_482 = arith.mulf %get3A_479, %mul3A_481 : vector<16xf32>
        %swap3A_483 = arith.constant 2 : i32
        %swap3A_484 = arith.index_cast %swap3A_483 : i32 to index
        %swap3A_485 = arith.index_cast %add3A_473 : i32 to index
        %swap3A_486 = arith.constant 32 : index
        %swap3A_487 = tpu.vector_load %arg6[%swap3A_484, %swap3A_485, %swap3A_486] {strides = array<i32>} : memref<4x200x64xf32, #tpu.memory_space<vmem>>, vector<1x1x16xf32>,
        %swap3A_488 = vector.shape_cast %swap3A_487 : vector<1x1x16xf32> to vector<16xf32>
        %swap3A_489 = vector.shape_cast %mul3A_482 : vector<16xf32> to vector<1x1x16xf32>
        tpu.vector_store %arg6[%swap3A_484, %swap3A_485, %swap3A_486], %swap3A_489 {strides = array<i32>} : memref<4x200x64xf32, #tpu.memory_space<vmem>>, vector<1x1x16xf32>,
        %mul3A_490 = arith.constant 4 : i32
        %mul3A_491 = arith.muli %scan3A_271, %mul3A_490 : i32
        %add3A_492 = arith.constant 2 : i32
        %add3A_493 = arith.addi %mul3A_491, %add3A_492 : i32
        %get3A_494 = arith.constant 2 : i32
        %get3A_495 = arith.index_cast %get3A_494 : i32 to index
        %get3A_496 = arith.index_cast %add3A_493 : i32 to index
        %get3A_497 = arith.constant 48 : index
        %get3A_498 = tpu.vector_load %arg6[%get3A_495, %get3A_496, %get3A_497] {strides = array<i32>} : memref<4x200x64xf32, #tpu.memory_space<vmem>>, vector<1x1x16xf32>,
        %get3A_499 = vector.shape_cast %get3A_498 : vector<1x1x16xf32> to vector<16xf32>
        %mul3A_500 = arith.constant 8.000000e+00 : f32
        %mul3A_501 = vector.broadcast %mul3A_500 : f32 to vector<16xf32>
        %mul3A_502 = arith.mulf %get3A_499, %mul3A_501 : vector<16xf32>
        %swap3A_503 = arith.constant 2 : i32
        %swap3A_504 = arith.index_cast %swap3A_503 : i32 to index
        %swap3A_505 = arith.index_cast %add3A_493 : i32 to index
        %swap3A_506 = arith.constant 48 : index
        %swap3A_507 = tpu.vector_load %arg6[%swap3A_504, %swap3A_505, %swap3A_506] {strides = array<i32>} : memref<4x200x64xf32, #tpu.memory_space<vmem>>, vector<1x1x16xf32>,
        %swap3A_508 = vector.shape_cast %swap3A_507 : vector<1x1x16xf32> to vector<16xf32>
        %swap3A_509 = vector.shape_cast %mul3A_502 : vector<16xf32> to vector<1x1x16xf32>
        tpu.vector_store %arg6[%swap3A_504, %swap3A_505, %swap3A_506], %swap3A_509 {strides = array<i32>} : memref<4x200x64xf32, #tpu.memory_space<vmem>>, vector<1x1x16xf32>,
        %mul3A_510 = arith.constant 4 : i32
        %mul3A_511 = arith.muli %scan3A_271, %mul3A_510 : i32
        %add3A_512 = arith.constant 3 : i32
        %add3A_513 = arith.addi %mul3A_511, %add3A_512 : i32
        %get3A_514 = arith.constant 2 : i32
        %get3A_515 = arith.index_cast %get3A_514 : i32 to index
        %get3A_516 = arith.index_cast %add3A_513 : i32 to index
        %get3A_517 = arith.constant 0 : index
        %get3A_518 = tpu.vector_load %arg6[%get3A_515, %get3A_516, %get3A_517] {strides = array<i32>} : memref<4x200x64xf32, #tpu.memory_space<vmem>>, vector<1x1x16xf32>,
        %get3A_519 = vector.shape_cast %get3A_518 : vector<1x1x16xf32> to vector<16xf32>
        %mul3A_520 = arith.constant 8.000000e+00 : f32
        %mul3A_521 = vector.broadcast %mul3A_520 : f32 to vector<16xf32>
        %mul3A_522 = arith.mulf %get3A_519, %mul3A_521 : vector<16xf32>
        %swap3A_523 = arith.constant 2 : i32
        %swap3A_524 = arith.index_cast %swap3A_523 : i32 to index
        %swap3A_525 = arith.index_cast %add3A_513 : i32 to index
        %swap3A_526 = arith.constant 0 : index
        %swap3A_527 = tpu.vector_load %arg6[%swap3A_524, %swap3A_525, %swap3A_526] {strides = array<i32>} : memref<4x200x64xf32, #tpu.memory_space<vmem>>, vector<1x1x16xf32>,
        %swap3A_528 = vector.shape_cast %swap3A_527 : vector<1x1x16xf32> to vector<16xf32>
        %swap3A_529 = vector.shape_cast %mul3A_522 : vector<16xf32> to vector<1x1x16xf32>
        tpu.vector_store %arg6[%swap3A_524, %swap3A_525, %swap3A_526], %swap3A_529 {strides = array<i32>} : memref<4x200x64xf32, #tpu.memory_space<vmem>>, vector<1x1x16xf32>,
        %mul3A_530 = arith.constant 4 : i32
        %mul3A_531 = arith.muli %scan3A_271, %mul3A_530 : i32
        %add3A_532 = arith.constant 3 : i32
        %add3A_533 = arith.addi %mul3A_531, %add3A_532 : i32
        %get3A_534 = arith.constant 2 : i32
        %get3A_535 = arith.index_cast %get3A_534 : i32 to index
        %get3A_536 = arith.index_cast %add3A_533 : i32 to index
        %get3A_537 = arith.constant 16 : index
        %get3A_538 = tpu.vector_load %arg6[%get3A_535, %get3A_536, %get3A_537] {strides = array<i32>} : memref<4x200x64xf32, #tpu.memory_space<vmem>>, vector<1x1x16xf32>,
        %get3A_539 = vector.shape_cast %get3A_538 : vector<1x1x16xf32> to vector<16xf32>
        %mul3A_540 = arith.constant 8.000000e+00 : f32
        %mul3A_541 = vector.broadcast %mul3A_540 : f32 to vector<16xf32>
        %mul3A_542 = arith.mulf %get3A_539, %mul3A_541 : vector<16xf32>
        %swap3A_543 = arith.constant 2 : i32
        %swap3A_544 = arith.index_cast %swap3A_543 : i32 to index
        %swap3A_545 = arith.index_cast %add3A_533 : i32 to index
        %swap3A_546 = arith.constant 16 : index
        %swap3A_547 = tpu.vector_load %arg6[%swap3A_544, %swap3A_545, %swap3A_546] {strides = array<i32>} : memref<4x200x64xf32, #tpu.memory_space<vmem>>, vector<1x1x16xf32>,
        %swap3A_548 = vector.shape_cast %swap3A_547 : vector<1x1x16xf32> to vector<16xf32>
        %swap3A_549 = vector.shape_cast %mul3A_542 : vector<16xf32> to vector<1x1x16xf32>
        tpu.vector_store %arg6[%swap3A_544, %swap3A_545, %swap3A_546], %swap3A_549 {strides = array<i32>} : memref<4x200x64xf32, #tpu.memory_space<vmem>>, vector<1x1x16xf32>,
        %mul3A_550 = arith.constant 4 : i32
        %mul3A_551 = arith.muli %scan3A_271, %mul3A_550 : i32
        %add3A_552 = arith.constant 3 : i32
        %add3A_553 = arith.addi %mul3A_551, %add3A_552 : i32
        %get3A_554 = arith.constant 2 : i32
        %get3A_555 = arith.index_cast %get3A_554 : i32 to index
        %get3A_556 = arith.index_cast %add3A_553 : i32 to index
        %get3A_557 = arith.constant 32 : index
        %get3A_558 = tpu.vector_load %arg6[%get3A_555, %get3A_556, %get3A_557] {strides = array<i32>} : memref<4x200x64xf32, #tpu.memory_space<vmem>>, vector<1x1x16xf32>,
        %get3A_559 = vector.shape_cast %get3A_558 : vector<1x1x16xf32> to vector<16xf32>
        %mul3A_560 = arith.constant 8.000000e+00 : f32
        %mul3A_561 = vector.broadcast %mul3A_560 : f32 to vector<16xf32>
        %mul3A_562 = arith.mulf %get3A_559, %mul3A_561 : vector<16xf32>
        %swap3A_563 = arith.constant 2 : i32
        %swap3A_564 = arith.index_cast %swap3A_563 : i32 to index
        %swap3A_565 = arith.index_cast %add3A_553 : i32 to index
        %swap3A_566 = arith.constant 32 : index
        %swap3A_567 = tpu.vector_load %arg6[%swap3A_564, %swap3A_565, %swap3A_566] {strides = array<i32>} : memref<4x200x64xf32, #tpu.memory_space<vmem>>, vector<1x1x16xf32>,
        %swap3A_568 = vector.shape_cast %swap3A_567 : vector<1x1x16xf32> to vector<16xf32>
        %swap3A_569 = vector.shape_cast %mul3A_562 : vector<16xf32> to vector<1x1x16xf32>
        tpu.vector_store %arg6[%swap3A_564, %swap3A_565, %swap3A_566], %swap3A_569 {strides = array<i32>} : memref<4x200x64xf32, #tpu.memory_space<vmem>>, vector<1x1x16xf32>,
        %mul3A_570 = arith.constant 4 : i32
        %mul3A_571 = arith.muli %scan3A_271, %mul3A_570 : i32
        %add3A_572 = arith.constant 3 : i32
        %add3A_573 = arith.addi %mul3A_571, %add3A_572 : i32
        %get3A_574 = arith.constant 2 : i32
        %get3A_575 = arith.index_cast %get3A_574 : i32 to index
        %get3A_576 = arith.index_cast %add3A_573 : i32 to index
        %get3A_577 = arith.constant 48 : index
        %get3A_578 = tpu.vector_load %arg6[%get3A_575, %get3A_576, %get3A_577] {strides = array<i32>} : memref<4x200x64xf32, #tpu.memory_space<vmem>>, vector<1x1x16xf32>,
        %get3A_579 = vector.shape_cast %get3A_578 : vector<1x1x16xf32> to vector<16xf32>
        %mul3A_580 = arith.constant 8.000000e+00 : f32
        %mul3A_581 = vector.broadcast %mul3A_580 : f32 to vector<16xf32>
        %mul3A_582 = arith.mulf %get3A_579, %mul3A_581 : vector<16xf32>
        %swap3A_583 = arith.constant 2 : i32
        %swap3A_584 = arith.index_cast %swap3A_583 : i32 to index
        %swap3A_585 = arith.index_cast %add3A_573 : i32 to index
        %swap3A_586 = arith.constant 48 : index
        %swap3A_587 = tpu.vector_load %arg6[%swap3A_584, %swap3A_585, %swap3A_586] {strides = array<i32>} : memref<4x200x64xf32, #tpu.memory_space<vmem>>, vector<1x1x16xf32>,
        %swap3A_588 = vector.shape_cast %swap3A_587 : vector<1x1x16xf32> to vector<16xf32>
        %swap3A_589 = vector.shape_cast %mul3A_582 : vector<16xf32> to vector<1x1x16xf32>
        tpu.vector_store %arg6[%swap3A_584, %swap3A_585, %swap3A_586], %swap3A_589 {strides = array<i32>} : memref<4x200x64xf32, #tpu.memory_space<vmem>>, vector<1x1x16xf32>,
      }
      %scan3A_147 = arith.constant 50 : i32
      %add3A_148 = arith.addi %mul3A_2, %mul3A_12 : i32
      %add3A_149 = arith.constant 2 : i32
      %add3A_150 = arith.addi %add3A_148, %add3A_149 : i32
      %dma_start3A_151 = arith.constant 2 : i32
      %dma_start3A_152 = arith.constant 0 : i32
      %dma_start3A_153 = arith.constant 0 : i32
      %dma_start3A_154 = tpu.memref_slice %arg6[%dma_start3A_151, %dma_start3A_152, %dma_start3A_153] : memref<4x200x64xf32, #tpu.memory_space<vmem>> -> memref<1x200x64xf32, #tpu.memory_space<vmem>>
      %dma_start3A_155 = tpu.memref_squeeze %dma_start3A_154 : memref<1x200x64xf32, #tpu.memory_space<vmem>> -> memref<200x64xf32, #tpu.memory_space<vmem>>
      %dma_start3A_156 = arith.constant 0 : i32
      %dma_start3A_157 = arith.constant 0 : i32
      %dma_start3A_158 = tpu.memref_slice %arg4[%add3A_150, %dma_start3A_156, %dma_start3A_157] : memref<4096x200x64xf32, #tpu.memory_space<hbm>> -> memref<1x200x64xf32, #tpu.memory_space<hbm>>
      %dma_start3A_159 = tpu.memref_squeeze %dma_start3A_158 : memref<1x200x64xf32, #tpu.memory_space<hbm>> -> memref<200x64xf32, #tpu.memory_space<hbm>>
      %dma_start3A_160 = arith.constant 0 : i32
      %dma_start3A_161 = arith.constant 0 : i32
      %dma_start3A_162 = tpu.memref_slice %arg4[%add3A_150, %dma_start3A_160, %dma_start3A_161] : memref<4096x200x64xf32, #tpu.memory_space<hbm>> -> memref<1x200x64xf32, #tpu.memory_space<hbm>>
      %dma_start3A_163 = tpu.memref_squeeze %dma_start3A_162 : memref<1x200x64xf32, #tpu.memory_space<hbm>> -> memref<200x64xf32, #tpu.memory_space<hbm>>
      %dma_start3A_164 = arith.constant 0 : i32
      %dma_start3A_165 = arith.constant 0 : i32
      %dma_start3A_166 = tpu.memref_slice %arg6[%dma_start3A_151, %dma_start3A_164, %dma_start3A_165] : memref<4x200x64xf32, #tpu.memory_space<vmem>> -> memref<1x200x64xf32, #tpu.memory_space<vmem>>
      %dma_start3A_167 = tpu.memref_squeeze %dma_start3A_166 : memref<1x200x64xf32, #tpu.memory_space<vmem>> -> memref<200x64xf32, #tpu.memory_space<vmem>>
      tpu.enqueue_dma source(%dma_start3A_167 : memref<200x64xf32, #tpu.memory_space<vmem>>) target(%dma_start3A_163 : memref<200x64xf32, #tpu.memory_space<hbm>>) target_semaphore(%arg11 : memref<!tpu.dma_semaphore, #tpu.memory_space<semaphore_mem>>)
      %dma_wait3A_168 = arith.constant 3 : i32
      %dma_wait3A_169 = arith.constant 0 : i32
      %dma_wait3A_170 = arith.constant 0 : i32
      %dma_wait3A_171 = tpu.memref_slice %arg6[%dma_wait3A_168, %dma_wait3A_169, %dma_wait3A_170] : memref<4x200x64xf32, #tpu.memory_space<vmem>> -> memref<1x200x64xf32, #tpu.memory_space<vmem>>
      %dma_wait3A_172 = tpu.memref_squeeze %dma_wait3A_171 : memref<1x200x64xf32, #tpu.memory_space<vmem>> -> memref<200x64xf32, #tpu.memory_space<vmem>>
      %dma_wait3A_173 = tpu.memref_slice %arg5[%mul3A_54] : memref<25600xi32, #tpu.memory_space<vmem>> -> memref<200xi32, #tpu.memory_space<vmem>>
      %dma_wait3A_174 = arith.constant 0 : i32
      %dma_wait3A_175 = arith.constant 0 : i32
      %dma_wait3A_176 = tpu.memref_slice %arg3[%dma_wait3A_174, %dma_wait3A_175] : memref<1000000x64xf32, #tpu.memory_space<hbm>> -> memref<1000000x64xf32, #tpu.memory_space<hbm>>
      tpu.wait_indirect_dma semaphore(%arg10 : memref<!tpu.dma_semaphore, #tpu.memory_space<semaphore_mem>>) src(%dma_wait3A_176 : memref<1000000x64xf32, #tpu.memory_space<hbm>>) dst(%dma_wait3A_172 : memref<200x64xf32, #tpu.memory_space<vmem>>)
      %scan3A_177 = arith.constant 0 : i32
      %scan3A_178 = arith.constant 0 : i32
      %scan3A_179 = arith.constant 50 : i32
      %scan3A_180 = arith.addi %scan3A_178, %scan3A_179 : i32
      %scan3A_181 = arith.constant 1 : i32
      scf.for %scan3A_271 = %scan3A_178 to %scan3A_180 step %scan3A_181  : i32 {
        %mul3A_272 = arith.constant 4 : i32
        %mul3A_273 = arith.muli %scan3A_271, %mul3A_272 : i32
        %add3A_274 = arith.constant 0 : i32
        %add3A_275 = arith.addi %mul3A_273, %add3A_274 : i32
        %get3A = arith.constant 3 : i32
        %get3A_276 = arith.index_cast %get3A : i32 to index
        %get3A_277 = arith.index_cast %add3A_275 : i32 to index
        %get3A_278 = arith.constant 0 : index
        %get3A_279 = tpu.vector_load %arg6[%get3A_276, %get3A_277, %get3A_278] {strides = array<i32>} : memref<4x200x64xf32, #tpu.memory_space<vmem>>, vector<1x1x16xf32>,
        %get3A_280 = vector.shape_cast %get3A_279 : vector<1x1x16xf32> to vector<16xf32>
        %mul3A_281 = arith.constant 8.000000e+00 : f32
        %mul3A_282 = vector.broadcast %mul3A_281 : f32 to vector<16xf32>
        %mul3A_283 = arith.mulf %get3A_280, %mul3A_282 : vector<16xf32>
        %swap3A = arith.constant 3 : i32
        %swap3A_284 = arith.index_cast %swap3A : i32 to index
        %swap3A_285 = arith.index_cast %add3A_275 : i32 to index
        %swap3A_286 = arith.constant 0 : index
        %swap3A_287 = tpu.vector_load %arg6[%swap3A_284, %swap3A_285, %swap3A_286] {strides = array<i32>} : memref<4x200x64xf32, #tpu.memory_space<vmem>>, vector<1x1x16xf32>,
        %swap3A_288 = vector.shape_cast %swap3A_287 : vector<1x1x16xf32> to vector<16xf32>
        %swap3A_289 = vector.shape_cast %mul3A_283 : vector<16xf32> to vector<1x1x16xf32>
        tpu.vector_store %arg6[%swap3A_284, %swap3A_285, %swap3A_286], %swap3A_289 {strides = array<i32>} : memref<4x200x64xf32, #tpu.memory_space<vmem>>, vector<1x1x16xf32>,
        %mul3A_290 = arith.constant 4 : i32
        %mul3A_291 = arith.muli %scan3A_271, %mul3A_290 : i32
        %add3A_292 = arith.constant 0 : i32
        %add3A_293 = arith.addi %mul3A_291, %add3A_292 : i32
        %get3A_294 = arith.constant 3 : i32
        %get3A_295 = arith.index_cast %get3A_294 : i32 to index
        %get3A_296 = arith.index_cast %add3A_293 : i32 to index
        %get3A_297 = arith.constant 16 : index
        %get3A_298 = tpu.vector_load %arg6[%get3A_295, %get3A_296, %get3A_297] {strides = array<i32>} : memref<4x200x64xf32, #tpu.memory_space<vmem>>, vector<1x1x16xf32>,
        %get3A_299 = vector.shape_cast %get3A_298 : vector<1x1x16xf32> to vector<16xf32>
        %mul3A_300 = arith.constant 8.000000e+00 : f32
        %mul3A_301 = vector.broadcast %mul3A_300 : f32 to vector<16xf32>
        %mul3A_302 = arith.mulf %get3A_299, %mul3A_301 : vector<16xf32>
        %swap3A_303 = arith.constant 3 : i32
        %swap3A_304 = arith.index_cast %swap3A_303 : i32 to index
        %swap3A_305 = arith.index_cast %add3A_293 : i32 to index
        %swap3A_306 = arith.constant 16 : index
        %swap3A_307 = tpu.vector_load %arg6[%swap3A_304, %swap3A_305, %swap3A_306] {strides = array<i32>} : memref<4x200x64xf32, #tpu.memory_space<vmem>>, vector<1x1x16xf32>,
        %swap3A_308 = vector.shape_cast %swap3A_307 : vector<1x1x16xf32> to vector<16xf32>
        %swap3A_309 = vector.shape_cast %mul3A_302 : vector<16xf32> to vector<1x1x16xf32>
        tpu.vector_store %arg6[%swap3A_304, %swap3A_305, %swap3A_306], %swap3A_309 {strides = array<i32>} : memref<4x200x64xf32, #tpu.memory_space<vmem>>, vector<1x1x16xf32>,
        %mul3A_310 = arith.constant 4 : i32
        %mul3A_311 = arith.muli %scan3A_271, %mul3A_310 : i32
        %add3A_312 = arith.constant 0 : i32
        %add3A_313 = arith.addi %mul3A_311, %add3A_312 : i32
        %get3A_314 = arith.constant 3 : i32
        %get3A_315 = arith.index_cast %get3A_314 : i32 to index
        %get3A_316 = arith.index_cast %add3A_313 : i32 to index
        %get3A_317 = arith.constant 32 : index
        %get3A_318 = tpu.vector_load %arg6[%get3A_315, %get3A_316, %get3A_317] {strides = array<i32>} : memref<4x200x64xf32, #tpu.memory_space<vmem>>, vector<1x1x16xf32>,
        %get3A_319 = vector.shape_cast %get3A_318 : vector<1x1x16xf32> to vector<16xf32>
        %mul3A_320 = arith.constant 8.000000e+00 : f32
        %mul3A_321 = vector.broadcast %mul3A_320 : f32 to vector<16xf32>
        %mul3A_322 = arith.mulf %get3A_319, %mul3A_321 : vector<16xf32>
        %swap3A_323 = arith.constant 3 : i32
        %swap3A_324 = arith.index_cast %swap3A_323 : i32 to index
        %swap3A_325 = arith.index_cast %add3A_313 : i32 to index
        %swap3A_326 = arith.constant 32 : index
        %swap3A_327 = tpu.vector_load %arg6[%swap3A_324, %swap3A_325, %swap3A_326] {strides = array<i32>} : memref<4x200x64xf32, #tpu.memory_space<vmem>>, vector<1x1x16xf32>,
        %swap3A_328 = vector.shape_cast %swap3A_327 : vector<1x1x16xf32> to vector<16xf32>
        %swap3A_329 = vector.shape_cast %mul3A_322 : vector<16xf32> to vector<1x1x16xf32>
        tpu.vector_store %arg6[%swap3A_324, %swap3A_325, %swap3A_326], %swap3A_329 {strides = array<i32>} : memref<4x200x64xf32, #tpu.memory_space<vmem>>, vector<1x1x16xf32>,
        %mul3A_330 = arith.constant 4 : i32
        %mul3A_331 = arith.muli %scan3A_271, %mul3A_330 : i32
        %add3A_332 = arith.constant 0 : i32
        %add3A_333 = arith.addi %mul3A_331, %add3A_332 : i32
        %get3A_334 = arith.constant 3 : i32
        %get3A_335 = arith.index_cast %get3A_334 : i32 to index
        %get3A_336 = arith.index_cast %add3A_333 : i32 to index
        %get3A_337 = arith.constant 48 : index
        %get3A_338 = tpu.vector_load %arg6[%get3A_335, %get3A_336, %get3A_337] {strides = array<i32>} : memref<4x200x64xf32, #tpu.memory_space<vmem>>, vector<1x1x16xf32>,
        %get3A_339 = vector.shape_cast %get3A_338 : vector<1x1x16xf32> to vector<16xf32>
        %mul3A_340 = arith.constant 8.000000e+00 : f32
        %mul3A_341 = vector.broadcast %mul3A_340 : f32 to vector<16xf32>
        %mul3A_342 = arith.mulf %get3A_339, %mul3A_341 : vector<16xf32>
        %swap3A_343 = arith.constant 3 : i32
        %swap3A_344 = arith.index_cast %swap3A_343 : i32 to index
        %swap3A_345 = arith.index_cast %add3A_333 : i32 to index
        %swap3A_346 = arith.constant 48 : index
        %swap3A_347 = tpu.vector_load %arg6[%swap3A_344, %swap3A_345, %swap3A_346] {strides = array<i32>} : memref<4x200x64xf32, #tpu.memory_space<vmem>>, vector<1x1x16xf32>,
        %swap3A_348 = vector.shape_cast %swap3A_347 : vector<1x1x16xf32> to vector<16xf32>
        %swap3A_349 = vector.shape_cast %mul3A_342 : vector<16xf32> to vector<1x1x16xf32>
        tpu.vector_store %arg6[%swap3A_344, %swap3A_345, %swap3A_346], %swap3A_349 {strides = array<i32>} : memref<4x200x64xf32, #tpu.memory_space<vmem>>, vector<1x1x16xf32>,
        %mul3A_350 = arith.constant 4 : i32
        %mul3A_351 = arith.muli %scan3A_271, %mul3A_350 : i32
        %add3A_352 = arith.constant 1 : i32
        %add3A_353 = arith.addi %mul3A_351, %add3A_352 : i32
        %get3A_354 = arith.constant 3 : i32
        %get3A_355 = arith.index_cast %get3A_354 : i32 to index
        %get3A_356 = arith.index_cast %add3A_353 : i32 to index
        %get3A_357 = arith.constant 0 : index
        %get3A_358 = tpu.vector_load %arg6[%get3A_355, %get3A_356, %get3A_357] {strides = array<i32>} : memref<4x200x64xf32, #tpu.memory_space<vmem>>, vector<1x1x16xf32>,
        %get3A_359 = vector.shape_cast %get3A_358 : vector<1x1x16xf32> to vector<16xf32>
        %mul3A_360 = arith.constant 8.000000e+00 : f32
        %mul3A_361 = vector.broadcast %mul3A_360 : f32 to vector<16xf32>
        %mul3A_362 = arith.mulf %get3A_359, %mul3A_361 : vector<16xf32>
        %swap3A_363 = arith.constant 3 : i32
        %swap3A_364 = arith.index_cast %swap3A_363 : i32 to index
        %swap3A_365 = arith.index_cast %add3A_353 : i32 to index
        %swap3A_366 = arith.constant 0 : index
        %swap3A_367 = tpu.vector_load %arg6[%swap3A_364, %swap3A_365, %swap3A_366] {strides = array<i32>} : memref<4x200x64xf32, #tpu.memory_space<vmem>>, vector<1x1x16xf32>,
        %swap3A_368 = vector.shape_cast %swap3A_367 : vector<1x1x16xf32> to vector<16xf32>
        %swap3A_369 = vector.shape_cast %mul3A_362 : vector<16xf32> to vector<1x1x16xf32>
        tpu.vector_store %arg6[%swap3A_364, %swap3A_365, %swap3A_366], %swap3A_369 {strides = array<i32>} : memref<4x200x64xf32, #tpu.memory_space<vmem>>, vector<1x1x16xf32>,
        %mul3A_370 = arith.constant 4 : i32
        %mul3A_371 = arith.muli %scan3A_271, %mul3A_370 : i32
        %add3A_372 = arith.constant 1 : i32
        %add3A_373 = arith.addi %mul3A_371, %add3A_372 : i32
        %get3A_374 = arith.constant 3 : i32
        %get3A_375 = arith.index_cast %get3A_374 : i32 to index
        %get3A_376 = arith.index_cast %add3A_373 : i32 to index
        %get3A_377 = arith.constant 16 : index
        %get3A_378 = tpu.vector_load %arg6[%get3A_375, %get3A_376, %get3A_377] {strides = array<i32>} : memref<4x200x64xf32, #tpu.memory_space<vmem>>, vector<1x1x16xf32>,
        %get3A_379 = vector.shape_cast %get3A_378 : vector<1x1x16xf32> to vector<16xf32>
        %mul3A_380 = arith.constant 8.000000e+00 : f32
        %mul3A_381 = vector.broadcast %mul3A_380 : f32 to vector<16xf32>
        %mul3A_382 = arith.mulf %get3A_379, %mul3A_381 : vector<16xf32>
        %swap3A_383 = arith.constant 3 : i32
        %swap3A_384 = arith.index_cast %swap3A_383 : i32 to index
        %swap3A_385 = arith.index_cast %add3A_373 : i32 to index
        %swap3A_386 = arith.constant 16 : index
        %swap3A_387 = tpu.vector_load %arg6[%swap3A_384, %swap3A_385, %swap3A_386] {strides = array<i32>} : memref<4x200x64xf32, #tpu.memory_space<vmem>>, vector<1x1x16xf32>,
        %swap3A_388 = vector.shape_cast %swap3A_387 : vector<1x1x16xf32> to vector<16xf32>
        %swap3A_389 = vector.shape_cast %mul3A_382 : vector<16xf32> to vector<1x1x16xf32>
        tpu.vector_store %arg6[%swap3A_384, %swap3A_385, %swap3A_386], %swap3A_389 {strides = array<i32>} : memref<4x200x64xf32, #tpu.memory_space<vmem>>, vector<1x1x16xf32>,
        %mul3A_390 = arith.constant 4 : i32
        %mul3A_391 = arith.muli %scan3A_271, %mul3A_390 : i32
        %add3A_392 = arith.constant 1 : i32
        %add3A_393 = arith.addi %mul3A_391, %add3A_392 : i32
        %get3A_394 = arith.constant 3 : i32
        %get3A_395 = arith.index_cast %get3A_394 : i32 to index
        %get3A_396 = arith.index_cast %add3A_393 : i32 to index
        %get3A_397 = arith.constant 32 : index
        %get3A_398 = tpu.vector_load %arg6[%get3A_395, %get3A_396, %get3A_397] {strides = array<i32>} : memref<4x200x64xf32, #tpu.memory_space<vmem>>, vector<1x1x16xf32>,
        %get3A_399 = vector.shape_cast %get3A_398 : vector<1x1x16xf32> to vector<16xf32>
        %mul3A_400 = arith.constant 8.000000e+00 : f32
        %mul3A_401 = vector.broadcast %mul3A_400 : f32 to vector<16xf32>
        %mul3A_402 = arith.mulf %get3A_399, %mul3A_401 : vector<16xf32>
        %swap3A_403 = arith.constant 3 : i32
        %swap3A_404 = arith.index_cast %swap3A_403 : i32 to index
        %swap3A_405 = arith.index_cast %add3A_393 : i32 to index
        %swap3A_406 = arith.constant 32 : index
        %swap3A_407 = tpu.vector_load %arg6[%swap3A_404, %swap3A_405, %swap3A_406] {strides = array<i32>} : memref<4x200x64xf32, #tpu.memory_space<vmem>>, vector<1x1x16xf32>,
        %swap3A_408 = vector.shape_cast %swap3A_407 : vector<1x1x16xf32> to vector<16xf32>
        %swap3A_409 = vector.shape_cast %mul3A_402 : vector<16xf32> to vector<1x1x16xf32>
        tpu.vector_store %arg6[%swap3A_404, %swap3A_405, %swap3A_406], %swap3A_409 {strides = array<i32>} : memref<4x200x64xf32, #tpu.memory_space<vmem>>, vector<1x1x16xf32>,
        %mul3A_410 = arith.constant 4 : i32
        %mul3A_411 = arith.muli %scan3A_271, %mul3A_410 : i32
        %add3A_412 = arith.constant 1 : i32
        %add3A_413 = arith.addi %mul3A_411, %add3A_412 : i32
        %get3A_414 = arith.constant 3 : i32
        %get3A_415 = arith.index_cast %get3A_414 : i32 to index
        %get3A_416 = arith.index_cast %add3A_413 : i32 to index
        %get3A_417 = arith.constant 48 : index
        %get3A_418 = tpu.vector_load %arg6[%get3A_415, %get3A_416, %get3A_417] {strides = array<i32>} : memref<4x200x64xf32, #tpu.memory_space<vmem>>, vector<1x1x16xf32>,
        %get3A_419 = vector.shape_cast %get3A_418 : vector<1x1x16xf32> to vector<16xf32>
        %mul3A_420 = arith.constant 8.000000e+00 : f32
        %mul3A_421 = vector.broadcast %mul3A_420 : f32 to vector<16xf32>
        %mul3A_422 = arith.mulf %get3A_419, %mul3A_421 : vector<16xf32>
        %swap3A_423 = arith.constant 3 : i32
        %swap3A_424 = arith.index_cast %swap3A_423 : i32 to index
        %swap3A_425 = arith.index_cast %add3A_413 : i32 to index
        %swap3A_426 = arith.constant 48 : index
        %swap3A_427 = tpu.vector_load %arg6[%swap3A_424, %swap3A_425, %swap3A_426] {strides = array<i32>} : memref<4x200x64xf32, #tpu.memory_space<vmem>>, vector<1x1x16xf32>,
        %swap3A_428 = vector.shape_cast %swap3A_427 : vector<1x1x16xf32> to vector<16xf32>
        %swap3A_429 = vector.shape_cast %mul3A_422 : vector<16xf32> to vector<1x1x16xf32>
        tpu.vector_store %arg6[%swap3A_424, %swap3A_425, %swap3A_426], %swap3A_429 {strides = array<i32>} : memref<4x200x64xf32, #tpu.memory_space<vmem>>, vector<1x1x16xf32>,
        %mul3A_430 = arith.constant 4 : i32
        %mul3A_431 = arith.muli %scan3A_271, %mul3A_430 : i32
        %add3A_432 = arith.constant 2 : i32
        %add3A_433 = arith.addi %mul3A_431, %add3A_432 : i32
        %get3A_434 = arith.constant 3 : i32
        %get3A_435 = arith.index_cast %get3A_434 : i32 to index
        %get3A_436 = arith.index_cast %add3A_433 : i32 to index
        %get3A_437 = arith.constant 0 : index
        %get3A_438 = tpu.vector_load %arg6[%get3A_435, %get3A_436, %get3A_437] {strides = array<i32>} : memref<4x200x64xf32, #tpu.memory_space<vmem>>, vector<1x1x16xf32>,
        %get3A_439 = vector.shape_cast %get3A_438 : vector<1x1x16xf32> to vector<16xf32>
        %mul3A_440 = arith.constant 8.000000e+00 : f32
        %mul3A_441 = vector.broadcast %mul3A_440 : f32 to vector<16xf32>
        %mul3A_442 = arith.mulf %get3A_439, %mul3A_441 : vector<16xf32>
        %swap3A_443 = arith.constant 3 : i32
        %swap3A_444 = arith.index_cast %swap3A_443 : i32 to index
        %swap3A_445 = arith.index_cast %add3A_433 : i32 to index
        %swap3A_446 = arith.constant 0 : index
        %swap3A_447 = tpu.vector_load %arg6[%swap3A_444, %swap3A_445, %swap3A_446] {strides = array<i32>} : memref<4x200x64xf32, #tpu.memory_space<vmem>>, vector<1x1x16xf32>,
        %swap3A_448 = vector.shape_cast %swap3A_447 : vector<1x1x16xf32> to vector<16xf32>
        %swap3A_449 = vector.shape_cast %mul3A_442 : vector<16xf32> to vector<1x1x16xf32>
        tpu.vector_store %arg6[%swap3A_444, %swap3A_445, %swap3A_446], %swap3A_449 {strides = array<i32>} : memref<4x200x64xf32, #tpu.memory_space<vmem>>, vector<1x1x16xf32>,
        %mul3A_450 = arith.constant 4 : i32
        %mul3A_451 = arith.muli %scan3A_271, %mul3A_450 : i32
        %add3A_452 = arith.constant 2 : i32
        %add3A_453 = arith.addi %mul3A_451, %add3A_452 : i32
        %get3A_454 = arith.constant 3 : i32
        %get3A_455 = arith.index_cast %get3A_454 : i32 to index
        %get3A_456 = arith.index_cast %add3A_453 : i32 to index
        %get3A_457 = arith.constant 16 : index
        %get3A_458 = tpu.vector_load %arg6[%get3A_455, %get3A_456, %get3A_457] {strides = array<i32>} : memref<4x200x64xf32, #tpu.memory_space<vmem>>, vector<1x1x16xf32>,
        %get3A_459 = vector.shape_cast %get3A_458 : vector<1x1x16xf32> to vector<16xf32>
        %mul3A_460 = arith.constant 8.000000e+00 : f32
        %mul3A_461 = vector.broadcast %mul3A_460 : f32 to vector<16xf32>
        %mul3A_462 = arith.mulf %get3A_459, %mul3A_461 : vector<16xf32>
        %swap3A_463 = arith.constant 3 : i32
        %swap3A_464 = arith.index_cast %swap3A_463 : i32 to index
        %swap3A_465 = arith.index_cast %add3A_453 : i32 to index
        %swap3A_466 = arith.constant 16 : index
        %swap3A_467 = tpu.vector_load %arg6[%swap3A_464, %swap3A_465, %swap3A_466] {strides = array<i32>} : memref<4x200x64xf32, #tpu.memory_space<vmem>>, vector<1x1x16xf32>,
        %swap3A_468 = vector.shape_cast %swap3A_467 : vector<1x1x16xf32> to vector<16xf32>
        %swap3A_469 = vector.shape_cast %mul3A_462 : vector<16xf32> to vector<1x1x16xf32>
        tpu.vector_store %arg6[%swap3A_464, %swap3A_465, %swap3A_466], %swap3A_469 {strides = array<i32>} : memref<4x200x64xf32, #tpu.memory_space<vmem>>, vector<1x1x16xf32>,
        %mul3A_470 = arith.constant 4 : i32
        %mul3A_471 = arith.muli %scan3A_271, %mul3A_470 : i32
        %add3A_472 = arith.constant 2 : i32
        %add3A_473 = arith.addi %mul3A_471, %add3A_472 : i32
        %get3A_474 = arith.constant 3 : i32
        %get3A_475 = arith.index_cast %get3A_474 : i32 to index
        %get3A_476 = arith.index_cast %add3A_473 : i32 to index
        %get3A_477 = arith.constant 32 : index
        %get3A_478 = tpu.vector_load %arg6[%get3A_475, %get3A_476, %get3A_477] {strides = array<i32>} : memref<4x200x64xf32, #tpu.memory_space<vmem>>, vector<1x1x16xf32>,
        %get3A_479 = vector.shape_cast %get3A_478 : vector<1x1x16xf32> to vector<16xf32>
        %mul3A_480 = arith.constant 8.000000e+00 : f32
        %mul3A_481 = vector.broadcast %mul3A_480 : f32 to vector<16xf32>
        %mul3A_482 = arith.mulf %get3A_479, %mul3A_481 : vector<16xf32>
        %swap3A_483 = arith.constant 3 : i32
        %swap3A_484 = arith.index_cast %swap3A_483 : i32 to index
        %swap3A_485 = arith.index_cast %add3A_473 : i32 to index
        %swap3A_486 = arith.constant 32 : index
        %swap3A_487 = tpu.vector_load %arg6[%swap3A_484, %swap3A_485, %swap3A_486] {strides = array<i32>} : memref<4x200x64xf32, #tpu.memory_space<vmem>>, vector<1x1x16xf32>,
        %swap3A_488 = vector.shape_cast %swap3A_487 : vector<1x1x16xf32> to vector<16xf32>
        %swap3A_489 = vector.shape_cast %mul3A_482 : vector<16xf32> to vector<1x1x16xf32>
        tpu.vector_store %arg6[%swap3A_484, %swap3A_485, %swap3A_486], %swap3A_489 {strides = array<i32>} : memref<4x200x64xf32, #tpu.memory_space<vmem>>, vector<1x1x16xf32>,
        %mul3A_490 = arith.constant 4 : i32
        %mul3A_491 = arith.muli %scan3A_271, %mul3A_490 : i32
        %add3A_492 = arith.constant 2 : i32
        %add3A_493 = arith.addi %mul3A_491, %add3A_492 : i32
        %get3A_494 = arith.constant 3 : i32
        %get3A_495 = arith.index_cast %get3A_494 : i32 to index
        %get3A_496 = arith.index_cast %add3A_493 : i32 to index
        %get3A_497 = arith.constant 48 : index
        %get3A_498 = tpu.vector_load %arg6[%get3A_495, %get3A_496, %get3A_497] {strides = array<i32>} : memref<4x200x64xf32, #tpu.memory_space<vmem>>, vector<1x1x16xf32>,
        %get3A_499 = vector.shape_cast %get3A_498 : vector<1x1x16xf32> to vector<16xf32>
        %mul3A_500 = arith.constant 8.000000e+00 : f32
        %mul3A_501 = vector.broadcast %mul3A_500 : f32 to vector<16xf32>
        %mul3A_502 = arith.mulf %get3A_499, %mul3A_501 : vector<16xf32>
        %swap3A_503 = arith.constant 3 : i32
        %swap3A_504 = arith.index_cast %swap3A_503 : i32 to index
        %swap3A_505 = arith.index_cast %add3A_493 : i32 to index
        %swap3A_506 = arith.constant 48 : index
        %swap3A_507 = tpu.vector_load %arg6[%swap3A_504, %swap3A_505, %swap3A_506] {strides = array<i32>} : memref<4x200x64xf32, #tpu.memory_space<vmem>>, vector<1x1x16xf32>,
        %swap3A_508 = vector.shape_cast %swap3A_507 : vector<1x1x16xf32> to vector<16xf32>
        %swap3A_509 = vector.shape_cast %mul3A_502 : vector<16xf32> to vector<1x1x16xf32>
        tpu.vector_store %arg6[%swap3A_504, %swap3A_505, %swap3A_506], %swap3A_509 {strides = array<i32>} : memref<4x200x64xf32, #tpu.memory_space<vmem>>, vector<1x1x16xf32>,
        %mul3A_510 = arith.constant 4 : i32
        %mul3A_511 = arith.muli %scan3A_271, %mul3A_510 : i32
        %add3A_512 = arith.constant 3 : i32
        %add3A_513 = arith.addi %mul3A_511, %add3A_512 : i32
        %get3A_514 = arith.constant 3 : i32
        %get3A_515 = arith.index_cast %get3A_514 : i32 to index
        %get3A_516 = arith.index_cast %add3A_513 : i32 to index
        %get3A_517 = arith.constant 0 : index
        %get3A_518 = tpu.vector_load %arg6[%get3A_515, %get3A_516, %get3A_517] {strides = array<i32>} : memref<4x200x64xf32, #tpu.memory_space<vmem>>, vector<1x1x16xf32>,
        %get3A_519 = vector.shape_cast %get3A_518 : vector<1x1x16xf32> to vector<16xf32>
        %mul3A_520 = arith.constant 8.000000e+00 : f32
        %mul3A_521 = vector.broadcast %mul3A_520 : f32 to vector<16xf32>
        %mul3A_522 = arith.mulf %get3A_519, %mul3A_521 : vector<16xf32>
        %swap3A_523 = arith.constant 3 : i32
        %swap3A_524 = arith.index_cast %swap3A_523 : i32 to index
        %swap3A_525 = arith.index_cast %add3A_513 : i32 to index
        %swap3A_526 = arith.constant 0 : index
        %swap3A_527 = tpu.vector_load %arg6[%swap3A_524, %swap3A_525, %swap3A_526] {strides = array<i32>} : memref<4x200x64xf32, #tpu.memory_space<vmem>>, vector<1x1x16xf32>,
        %swap3A_528 = vector.shape_cast %swap3A_527 : vector<1x1x16xf32> to vector<16xf32>
        %swap3A_529 = vector.shape_cast %mul3A_522 : vector<16xf32> to vector<1x1x16xf32>
        tpu.vector_store %arg6[%swap3A_524, %swap3A_525, %swap3A_526], %swap3A_529 {strides = array<i32>} : memref<4x200x64xf32, #tpu.memory_space<vmem>>, vector<1x1x16xf32>,
        %mul3A_530 = arith.constant 4 : i32
        %mul3A_531 = arith.muli %scan3A_271, %mul3A_530 : i32
        %add3A_532 = arith.constant 3 : i32
        %add3A_533 = arith.addi %mul3A_531, %add3A_532 : i32
        %get3A_534 = arith.constant 3 : i32
        %get3A_535 = arith.index_cast %get3A_534 : i32 to index
        %get3A_536 = arith.index_cast %add3A_533 : i32 to index
        %get3A_537 = arith.constant 16 : index
        %get3A_538 = tpu.vector_load %arg6[%get3A_535, %get3A_536, %get3A_537] {strides = array<i32>} : memref<4x200x64xf32, #tpu.memory_space<vmem>>, vector<1x1x16xf32>,
        %get3A_539 = vector.shape_cast %get3A_538 : vector<1x1x16xf32> to vector<16xf32>
        %mul3A_540 = arith.constant 8.000000e+00 : f32
        %mul3A_541 = vector.broadcast %mul3A_540 : f32 to vector<16xf32>
        %mul3A_542 = arith.mulf %get3A_539, %mul3A_541 : vector<16xf32>
        %swap3A_543 = arith.constant 3 : i32
        %swap3A_544 = arith.index_cast %swap3A_543 : i32 to index
        %swap3A_545 = arith.index_cast %add3A_533 : i32 to index
        %swap3A_546 = arith.constant 16 : index
        %swap3A_547 = tpu.vector_load %arg6[%swap3A_544, %swap3A_545, %swap3A_546] {strides = array<i32>} : memref<4x200x64xf32, #tpu.memory_space<vmem>>, vector<1x1x16xf32>,
        %swap3A_548 = vector.shape_cast %swap3A_547 : vector<1x1x16xf32> to vector<16xf32>
        %swap3A_549 = vector.shape_cast %mul3A_542 : vector<16xf32> to vector<1x1x16xf32>
        tpu.vector_store %arg6[%swap3A_544, %swap3A_545, %swap3A_546], %swap3A_549 {strides = array<i32>} : memref<4x200x64xf32, #tpu.memory_space<vmem>>, vector<1x1x16xf32>,
        %mul3A_550 = arith.constant 4 : i32
        %mul3A_551 = arith.muli %scan3A_271, %mul3A_550 : i32
        %add3A_552 = arith.constant 3 : i32
        %add3A_553 = arith.addi %mul3A_551, %add3A_552 : i32
        %get3A_554 = arith.constant 3 : i32
        %get3A_555 = arith.index_cast %get3A_554 : i32 to index
        %get3A_556 = arith.index_cast %add3A_553 : i32 to index
        %get3A_557 = arith.constant 32 : index
        %get3A_558 = tpu.vector_load %arg6[%get3A_555, %get3A_556, %get3A_557] {strides = array<i32>} : memref<4x200x64xf32, #tpu.memory_space<vmem>>, vector<1x1x16xf32>,
        %get3A_559 = vector.shape_cast %get3A_558 : vector<1x1x16xf32> to vector<16xf32>
        %mul3A_560 = arith.constant 8.000000e+00 : f32
        %mul3A_561 = vector.broadcast %mul3A_560 : f32 to vector<16xf32>
        %mul3A_562 = arith.mulf %get3A_559, %mul3A_561 : vector<16xf32>
        %swap3A_563 = arith.constant 3 : i32
        %swap3A_564 = arith.index_cast %swap3A_563 : i32 to index
        %swap3A_565 = arith.index_cast %add3A_553 : i32 to index
        %swap3A_566 = arith.constant 32 : index
        %swap3A_567 = tpu.vector_load %arg6[%swap3A_564, %swap3A_565, %swap3A_566] {strides = array<i32>} : memref<4x200x64xf32, #tpu.memory_space<vmem>>, vector<1x1x16xf32>,
        %swap3A_568 = vector.shape_cast %swap3A_567 : vector<1x1x16xf32> to vector<16xf32>
        %swap3A_569 = vector.shape_cast %mul3A_562 : vector<16xf32> to vector<1x1x16xf32>
        tpu.vector_store %arg6[%swap3A_564, %swap3A_565, %swap3A_566], %swap3A_569 {strides = array<i32>} : memref<4x200x64xf32, #tpu.memory_space<vmem>>, vector<1x1x16xf32>,
        %mul3A_570 = arith.constant 4 : i32
        %mul3A_571 = arith.muli %scan3A_271, %mul3A_570 : i32
        %add3A_572 = arith.constant 3 : i32
        %add3A_573 = arith.addi %mul3A_571, %add3A_572 : i32
        %get3A_574 = arith.constant 3 : i32
        %get3A_575 = arith.index_cast %get3A_574 : i32 to index
        %get3A_576 = arith.index_cast %add3A_573 : i32 to index
        %get3A_577 = arith.constant 48 : index
        %get3A_578 = tpu.vector_load %arg6[%get3A_575, %get3A_576, %get3A_577] {strides = array<i32>} : memref<4x200x64xf32, #tpu.memory_space<vmem>>, vector<1x1x16xf32>,
        %get3A_579 = vector.shape_cast %get3A_578 : vector<1x1x16xf32> to vector<16xf32>
        %mul3A_580 = arith.constant 8.000000e+00 : f32
        %mul3A_581 = vector.broadcast %mul3A_580 : f32 to vector<16xf32>
        %mul3A_582 = arith.mulf %get3A_579, %mul3A_581 : vector<16xf32>
        %swap3A_583 = arith.constant 3 : i32
        %swap3A_584 = arith.index_cast %swap3A_583 : i32 to index
        %swap3A_585 = arith.index_cast %add3A_573 : i32 to index
        %swap3A_586 = arith.constant 48 : index
        %swap3A_587 = tpu.vector_load %arg6[%swap3A_584, %swap3A_585, %swap3A_586] {strides = array<i32>} : memref<4x200x64xf32, #tpu.memory_space<vmem>>, vector<1x1x16xf32>,
        %swap3A_588 = vector.shape_cast %swap3A_587 : vector<1x1x16xf32> to vector<16xf32>
        %swap3A_589 = vector.shape_cast %mul3A_582 : vector<16xf32> to vector<1x1x16xf32>
        tpu.vector_store %arg6[%swap3A_584, %swap3A_585, %swap3A_586], %swap3A_589 {strides = array<i32>} : memref<4x200x64xf32, #tpu.memory_space<vmem>>, vector<1x1x16xf32>,
      }
      %scan3A_182 = arith.constant 50 : i32
      %add3A_183 = arith.addi %mul3A_2, %mul3A_12 : i32
      %add3A_184 = arith.constant 3 : i32
      %add3A_185 = arith.addi %add3A_183, %add3A_184 : i32
      %dma_start3A_186 = arith.constant 3 : i32
      %dma_start3A_187 = arith.constant 0 : i32
      %dma_start3A_188 = arith.constant 0 : i32
      %dma_start3A_189 = tpu.memref_slice %arg6[%dma_start3A_186, %dma_start3A_187, %dma_start3A_188] : memref<4x200x64xf32, #tpu.memory_space<vmem>> -> memref<1x200x64xf32, #tpu.memory_space<vmem>>
      %dma_start3A_190 = tpu.memref_squeeze %dma_start3A_189 : memref<1x200x64xf32, #tpu.memory_space<vmem>> -> memref<200x64xf32, #tpu.memory_space<vmem>>
      %dma_start3A_191 = arith.constant 0 : i32
      %dma_start3A_192 = arith.constant 0 : i32
      %dma_start3A_193 = tpu.memref_slice %arg4[%add3A_185, %dma_start3A_191, %dma_start3A_192] : memref<4096x200x64xf32, #tpu.memory_space<hbm>> -> memref<1x200x64xf32, #tpu.memory_space<hbm>>
      %dma_start3A_194 = tpu.memref_squeeze %dma_start3A_193 : memref<1x200x64xf32, #tpu.memory_space<hbm>> -> memref<200x64xf32, #tpu.memory_space<hbm>>
      %dma_start3A_195 = arith.constant 0 : i32
      %dma_start3A_196 = arith.constant 0 : i32
      %dma_start3A_197 = tpu.memref_slice %arg4[%add3A_185, %dma_start3A_195, %dma_start3A_196] : memref<4096x200x64xf32, #tpu.memory_space<hbm>> -> memref<1x200x64xf32, #tpu.memory_space<hbm>>
      %dma_start3A_198 = tpu.memref_squeeze %dma_start3A_197 : memref<1x200x64xf32, #tpu.memory_space<hbm>> -> memref<200x64xf32, #tpu.memory_space<hbm>>
      %dma_start3A_199 = arith.constant 0 : i32
      %dma_start3A_200 = arith.constant 0 : i32
      %dma_start3A_201 = tpu.memref_slice %arg6[%dma_start3A_186, %dma_start3A_199, %dma_start3A_200] : memref<4x200x64xf32, #tpu.memory_space<vmem>> -> memref<1x200x64xf32, #tpu.memory_space<vmem>>
      %dma_start3A_202 = tpu.memref_squeeze %dma_start3A_201 : memref<1x200x64xf32, #tpu.memory_space<vmem>> -> memref<200x64xf32, #tpu.memory_space<vmem>>
      tpu.enqueue_dma source(%dma_start3A_202 : memref<200x64xf32, #tpu.memory_space<vmem>>) target(%dma_start3A_198 : memref<200x64xf32, #tpu.memory_space<hbm>>) target_semaphore(%arg11 : memref<!tpu.dma_semaphore, #tpu.memory_space<semaphore_mem>>)
      %dma_wait3A_203 = arith.constant 0 : i32
      %dma_wait3A_204 = arith.constant 0 : i32
      %dma_wait3A_205 = arith.constant 0 : i32
      %dma_wait3A_206 = tpu.memref_slice %arg6[%dma_wait3A_203, %dma_wait3A_204, %dma_wait3A_205] : memref<4x200x64xf32, #tpu.memory_space<vmem>> -> memref<1x200x64xf32, #tpu.memory_space<vmem>>
      %dma_wait3A_207 = tpu.memref_squeeze %dma_wait3A_206 : memref<1x200x64xf32, #tpu.memory_space<vmem>> -> memref<200x64xf32, #tpu.memory_space<vmem>>
      %dma_wait3A_208 = arith.constant 0 : i32
      %dma_wait3A_209 = arith.constant 0 : i32
      %dma_wait3A_210 = tpu.memref_slice %arg4[%add3A_80, %dma_wait3A_208, %dma_wait3A_209] : memref<4096x200x64xf32, #tpu.memory_space<hbm>> -> memref<1x200x64xf32, #tpu.memory_space<hbm>>
      %dma_wait3A_211 = tpu.memref_squeeze %dma_wait3A_210 : memref<1x200x64xf32, #tpu.memory_space<hbm>> -> memref<200x64xf32, #tpu.memory_space<hbm>>
      %dma_wait3A_212 = arith.constant 0 : i32
      %dma_wait3A_213 = arith.constant 0 : i32
      %dma_wait3A_214 = tpu.memref_slice %arg4[%add3A_80, %dma_wait3A_212, %dma_wait3A_213] : memref<4096x200x64xf32, #tpu.memory_space<hbm>> -> memref<1x200x64xf32, #tpu.memory_space<hbm>>
      %dma_wait3A_215 = tpu.memref_squeeze %dma_wait3A_214 : memref<1x200x64xf32, #tpu.memory_space<hbm>> -> memref<200x64xf32, #tpu.memory_space<hbm>>
      %dma_wait3A_216 = arith.constant 0 : i32
      %dma_wait3A_217 = arith.constant 0 : i32
      %dma_wait3A_218 = tpu.memref_slice %arg6[%dma_wait3A_203, %dma_wait3A_216, %dma_wait3A_217] : memref<4x200x64xf32, #tpu.memory_space<vmem>> -> memref<1x200x64xf32, #tpu.memory_space<vmem>>
      %dma_wait3A_219 = tpu.memref_squeeze %dma_wait3A_218 : memref<1x200x64xf32, #tpu.memory_space<vmem>> -> memref<200x64xf32, #tpu.memory_space<vmem>>
      tpu.wait_dma2 semaphore(%arg11 : memref<!tpu.dma_semaphore, #tpu.memory_space<semaphore_mem>>) src(%dma_wait3A_219 : memref<200x64xf32, #tpu.memory_space<vmem>>) dst(%dma_wait3A_215 : memref<200x64xf32, #tpu.memory_space<hbm>>)
      %dma_wait3A_220 = arith.constant 1 : i32
      %dma_wait3A_221 = arith.constant 0 : i32
      %dma_wait3A_222 = arith.constant 0 : i32
      %dma_wait3A_223 = tpu.memref_slice %arg6[%dma_wait3A_220, %dma_wait3A_221, %dma_wait3A_222] : memref<4x200x64xf32, #tpu.memory_space<vmem>> -> memref<1x200x64xf32, #tpu.memory_space<vmem>>
      %dma_wait3A_224 = tpu.memref_squeeze %dma_wait3A_223 : memref<1x200x64xf32, #tpu.memory_space<vmem>> -> memref<200x64xf32, #tpu.memory_space<vmem>>
      %dma_wait3A_225 = arith.constant 0 : i32
      %dma_wait3A_226 = arith.constant 0 : i32
      %dma_wait3A_227 = tpu.memref_slice %arg4[%add3A_115, %dma_wait3A_225, %dma_wait3A_226] : memref<4096x200x64xf32, #tpu.memory_space<hbm>> -> memref<1x200x64xf32, #tpu.memory_space<hbm>>
      %dma_wait3A_228 = tpu.memref_squeeze %dma_wait3A_227 : memref<1x200x64xf32, #tpu.memory_space<hbm>> -> memref<200x64xf32, #tpu.memory_space<hbm>>
      %dma_wait3A_229 = arith.constant 0 : i32
      %dma_wait3A_230 = arith.constant 0 : i32
      %dma_wait3A_231 = tpu.memref_slice %arg4[%add3A_115, %dma_wait3A_229, %dma_wait3A_230] : memref<4096x200x64xf32, #tpu.memory_space<hbm>> -> memref<1x200x64xf32, #tpu.memory_space<hbm>>
      %dma_wait3A_232 = tpu.memref_squeeze %dma_wait3A_231 : memref<1x200x64xf32, #tpu.memory_space<hbm>> -> memref<200x64xf32, #tpu.memory_space<hbm>>
      %dma_wait3A_233 = arith.constant 0 : i32
      %dma_wait3A_234 = arith.constant 0 : i32
      %dma_wait3A_235 = tpu.memref_slice %arg6[%dma_wait3A_220, %dma_wait3A_233, %dma_wait3A_234] : memref<4x200x64xf32, #tpu.memory_space<vmem>> -> memref<1x200x64xf32, #tpu.memory_space<vmem>>
      %dma_wait3A_236 = tpu.memref_squeeze %dma_wait3A_235 : memref<1x200x64xf32, #tpu.memory_space<vmem>> -> memref<200x64xf32, #tpu.memory_space<vmem>>
      tpu.wait_dma2 semaphore(%arg11 : memref<!tpu.dma_semaphore, #tpu.memory_space<semaphore_mem>>) src(%dma_wait3A_236 : memref<200x64xf32, #tpu.memory_space<vmem>>) dst(%dma_wait3A_232 : memref<200x64xf32, #tpu.memory_space<hbm>>)
      %dma_wait3A_237 = arith.constant 2 : i32
      %dma_wait3A_238 = arith.constant 0 : i32
      %dma_wait3A_239 = arith.constant 0 : i32
      %dma_wait3A_240 = tpu.memref_slice %arg6[%dma_wait3A_237, %dma_wait3A_238, %dma_wait3A_239] : memref<4x200x64xf32, #tpu.memory_space<vmem>> -> memref<1x200x64xf32, #tpu.memory_space<vmem>>
      %dma_wait3A_241 = tpu.memref_squeeze %dma_wait3A_240 : memref<1x200x64xf32, #tpu.memory_space<vmem>> -> memref<200x64xf32, #tpu.memory_space<vmem>>
      %dma_wait3A_242 = arith.constant 0 : i32
      %dma_wait3A_243 = arith.constant 0 : i32
      %dma_wait3A_244 = tpu.memref_slice %arg4[%add3A_150, %dma_wait3A_242, %dma_wait3A_243] : memref<4096x200x64xf32, #tpu.memory_space<hbm>> -> memref<1x200x64xf32, #tpu.memory_space<hbm>>
      %dma_wait3A_245 = tpu.memref_squeeze %dma_wait3A_244 : memref<1x200x64xf32, #tpu.memory_space<hbm>> -> memref<200x64xf32, #tpu.memory_space<hbm>>
      %dma_wait3A_246 = arith.constant 0 : i32
      %dma_wait3A_247 = arith.constant 0 : i32
      %dma_wait3A_248 = tpu.memref_slice %arg4[%add3A_150, %dma_wait3A_246, %dma_wait3A_247] : memref<4096x200x64xf32, #tpu.memory_space<hbm>> -> memref<1x200x64xf32, #tpu.memory_space<hbm>>
      %dma_wait3A_249 = tpu.memref_squeeze %dma_wait3A_248 : memref<1x200x64xf32, #tpu.memory_space<hbm>> -> memref<200x64xf32, #tpu.memory_space<hbm>>
      %dma_wait3A_250 = arith.constant 0 : i32
      %dma_wait3A_251 = arith.constant 0 : i32
      %dma_wait3A_252 = tpu.memref_slice %arg6[%dma_wait3A_237, %dma_wait3A_250, %dma_wait3A_251] : memref<4x200x64xf32, #tpu.memory_space<vmem>> -> memref<1x200x64xf32, #tpu.memory_space<vmem>>
      %dma_wait3A_253 = tpu.memref_squeeze %dma_wait3A_252 : memref<1x200x64xf32, #tpu.memory_space<vmem>> -> memref<200x64xf32, #tpu.memory_space<vmem>>
      tpu.wait_dma2 semaphore(%arg11 : memref<!tpu.dma_semaphore, #tpu.memory_space<semaphore_mem>>) src(%dma_wait3A_253 : memref<200x64xf32, #tpu.memory_space<vmem>>) dst(%dma_wait3A_249 : memref<200x64xf32, #tpu.memory_space<hbm>>)
      %dma_wait3A_254 = arith.constant 3 : i32
      %dma_wait3A_255 = arith.constant 0 : i32
      %dma_wait3A_256 = arith.constant 0 : i32
      %dma_wait3A_257 = tpu.memref_slice %arg6[%dma_wait3A_254, %dma_wait3A_255, %dma_wait3A_256] : memref<4x200x64xf32, #tpu.memory_space<vmem>> -> memref<1x200x64xf32, #tpu.memory_space<vmem>>
      %dma_wait3A_258 = tpu.memref_squeeze %dma_wait3A_257 : memref<1x200x64xf32, #tpu.memory_space<vmem>> -> memref<200x64xf32, #tpu.memory_space<vmem>>
      %dma_wait3A_259 = arith.constant 0 : i32
      %dma_wait3A_260 = arith.constant 0 : i32
      %dma_wait3A_261 = tpu.memref_slice %arg4[%add3A_185, %dma_wait3A_259, %dma_wait3A_260] : memref<4096x200x64xf32, #tpu.memory_space<hbm>> -> memref<1x200x64xf32, #tpu.memory_space<hbm>>
      %dma_wait3A_262 = tpu.memref_squeeze %dma_wait3A_261 : memref<1x200x64xf32, #tpu.memory_space<hbm>> -> memref<200x64xf32, #tpu.memory_space<hbm>>
      %dma_wait3A_263 = arith.constant 0 : i32
      %dma_wait3A_264 = arith.constant 0 : i32
      %dma_wait3A_265 = tpu.memref_slice %arg4[%add3A_185, %dma_wait3A_263, %dma_wait3A_264] : memref<4096x200x64xf32, #tpu.memory_space<hbm>> -> memref<1x200x64xf32, #tpu.memory_space<hbm>>
      %dma_wait3A_266 = tpu.memref_squeeze %dma_wait3A_265 : memref<1x200x64xf32, #tpu.memory_space<hbm>> -> memref<200x64xf32, #tpu.memory_space<hbm>>
      %dma_wait3A_267 = arith.constant 0 : i32
      %dma_wait3A_268 = arith.constant 0 : i32
      %dma_wait3A_269 = tpu.memref_slice %arg6[%dma_wait3A_254, %dma_wait3A_267, %dma_wait3A_268] : memref<4x200x64xf32, #tpu.memory_space<vmem>> -> memref<1x200x64xf32, #tpu.memory_space<vmem>>
      %dma_wait3A_270 = tpu.memref_squeeze %dma_wait3A_269 : memref<1x200x64xf32, #tpu.memory_space<vmem>> -> memref<200x64xf32, #tpu.memory_space<vmem>>
      tpu.wait_dma2 semaphore(%arg11 : memref<!tpu.dma_semaphore, #tpu.memory_space<semaphore_mem>>) src(%dma_wait3A_270 : memref<200x64xf32, #tpu.memory_space<vmem>>) dst(%dma_wait3A_266 : memref<200x64xf32, #tpu.memory_space<hbm>>)
    }
    %scan3A_9 = arith.constant 32 : i32
    return
  }
}

</mosaic_0001>

<sc_bundles>
// kernel: kernel.3.cloned.1.call-start
scs
__scs_entry_jumppad:
0x0: {  	(pc) =	sbr.rel $0x88, $3  }
0x1: {  	(tag) =	ssettag $0x0;
	lr =	simm.s32 $0x1  }
0x2: {  	[smem:$0x3F9F] =	sst lr;
	_ =	strace $0xD0000000  }
0x3: {  	_ = 	snop  }
0x4: {  	_ = 	snop  }
0x5: {  	_ = 	snop  }
0x6: {  	_ = 	snop  }
0x7: {  	_ = 	snop  }
__scs_overlays_trampoline_lowered:
0x8: {  	[smem:$0x3FAE] =	sst s0  }
0x9: {  	[smem:$0x3FAF] =	sst s1  }
0xa: {  	[smem:$0x3FB0] =	sst s2  }
0xb: {  	[smem:$0x3FB1] =	sst s3  }
0xc: {  	[smem:$0x3FB2] =	sst s4  }
0xd: {  	[smem:$0x3FB3] =	sst s5  }
0xe: {  	[smem:$0x3FB4] =	sst s6  }
0xf: {  	[smem:$0x3FB5] =	sst s7  }
0x10: {  	[smem:$0x3FB6] =	sst s8  }
0x11: {  	[smem:$0x3FB7] =	sst s9;
	s0 =	simm.s32 @!p0 $0x0  }
0x12: {  	s1 =	sld [smem:$0x3F9D];
	s0 =	simm.s32 @p0 $0x1  }
0x13: {  	[smem:$0x3FB8] =	sst s0;
	s0 =	simm.s32 @!p1 $0x0  }
0x14: {  	s2 =	sld [smem:$0x3F9C];
	s0 =	simm.s32 @p1 $0x1  }
0x15: {  	[smem:$0x3FB9] =	sst s0;
	s0 =	simm.s32 @!p2 $0x0  }
0x16: {  	s3 =	sld [smem:$0x3FDB];
	s0 =	simm.s32 @p2 $0x1  }
0x17: {  	s4 =	simm.s32 $0x1BF5;
	[smem:$0x3FBB] =	sst s0  }
0x18: {  	s0 =	sld [smem:$0x3F9E];
	_ =	swait.ge [sflag:s4], $0x0  }
0x19: {  	s7 =	sld [smem:$0x3F9F]  }
0x1a: {  	s8 =	sadd.s32 $0xFFFFE003, lr  }
0x1b: {  	s9 =	sadd.s32 $0xFFFFFEF7, lr;
	s5 =	simm.s32 $0xFFFFFFFF;
	p2 =	slt.u32 s8, $0xFFFFF086  }
0x1c: {  	p1 =	slt.u32 s9, $0xF7A;
	s5 =	simm.s32 @!p2 $0x0  }
0x1d: {  	s5 =	simm.s32 @p1 $0x1;
	p0 =	seq.s32 s7, s2  }
0x1e: {  	s7 =	smul.u32 @!p0 $0xF7A, s2;
	p2 =	seq.s32 @!p0 s5, $0x0  }
0x1f: {  	s9 =	smul.u32 $0xF7A, s1;
	s8 =	simm.s32 @!p0 $0x1BF5;
	p2 =	por !p2, p0  }
0x20: {  	[sflag:s8] =	ssyncset.s32 @!p0 $0xFFFFF086;
	s6 =	sadd.s32 @!p0 s3, s7;
	s7 =	simm.s32 @!p0 $0x108  }
0x21: {  	s3 =	sadd.s32 s3, s9;
	s6 =	sadd.s32 @!p0 $0x88, s6;
	s7 =	simm.s32 @p2 $0x1082  }
0x22: {  	[simem:s7], [sflag:s8] =	dma.local @!p0 [hbm:s6], $0xF7A  }
0x23: {  	s9 =	sor.u32 $0xD0000000, s2;
	s6 =	simm.s32 $0x108;
	_ =	swait.ge @!p0 [sflag:s8], $0x0  }
0x24: {  	s3 =	sadd.s32 $0x88, s3;
	s6 =	simm.s32 @!p1 $0x1082;
	[sflag:s4] =	ssyncset.s32 $0xFFFFF086  }
0x25: {  	[simem:s6], [sflag:s4] =	dma.local [hbm:s3], $0xF7A  }
0x26: {  	[smem:$0x3F9F] =	sst s1;
	(tag) =	ssettag s2;
	_ =	strace s9  }
0x27: {  	s1 =	sld [smem:$0x3FAF]  }
0x28: {  	s2 =	sld [smem:$0x3FB0]  }
0x29: {  	s4 =	sld [smem:$0x3FB2]  }
0x2a: {  	p0 =	seq.s32 s5, $0x0;
	s5 =	sld [smem:$0x3FB3]  }
0x2b: {  	s6 =	sld [smem:$0x3FB4]  }
0x2c: {  	s7 =	sld [smem:$0x3FB5]  }
0x2d: {  	s3 =	simm.s32 $0x108;
	s8 =	sld [smem:$0x3FB6]  }
0x2e: {  	s3 =	simm.s32 @!p0 $0x1082;
	s9 =	sld [smem:$0x3FB7]  }
0x2f: {  	lr =	sadd.s32 s0, s3;
	s0 =	sld [smem:$0x3FAE]  }
0x30: {  	s3 =	sld [smem:$0x3FB1]  }
0x31: {  	[smem:$0x3FBA] =	sst s10  }
0x32: {  	s10 =	sld [smem:$0x3FB8];
	_ =	sdelay $0x3  }
0x33: {  	p0 =	seq.s32 s10, $0x1;
	s10 =	sld [smem:$0x3FBA];
	_ =	sdelay $0x3  }
0x34: {  	[smem:$0x3FBA] =	sst s10  }
0x35: {  	s10 =	sld [smem:$0x3FB9];
	_ =	sdelay $0x3  }
0x36: {  	p1 =	seq.s32 s10, $0x1;
	s10 =	sld [smem:$0x3FBA];
	_ =	sdelay $0x3  }
0x37: {  	[smem:$0x3FBA] =	sst s10  }
0x38: {  	s10 =	sld [smem:$0x3FBB]  }
0x39: {  	_ = 	snop;
	(pc) =	sbr.ind lr, $3  }
0x3a: {  	_ = 	snop  }
0x3b: {  	_ = 	snop  }
0x3c: {  	p2 =	seq.s32 s10, $0x1;
	s10 =	sld [smem:$0x3FBA]  }
0x3d: {  	_ =	shalt  }
0x3e: {  	_ =	shalt  }
0x3f: {  	_ =	shalt  }
0x40: {  	_ =	shalt  }
0x41: {  	_ =	shalt  }
0x42: {  	_ =	shalt  }
0x43: {  	_ =	shalt  }
0x44: {  	_ =	shalt  }
0x45: {  	_ =	shalt  }
0x46: {  	_ =	shalt  }
0x47: {  	_ =	shalt  }
0x48: {  	_ =	shalt  }
0x49: {  	_ =	shalt  }
0x4a: {  	_ =	shalt  }
0x4b: {  	_ =	shalt  }
0x4c: {  	_ =	shalt  }
0x4d: {  	_ =	shalt  }
0x4e: {  	_ =	shalt  }
0x4f: {  	_ =	shalt  }
0x50: {  	_ =	shalt  }
0x51: {  	_ =	shalt  }
0x52: {  	_ =	shalt  }
0x53: {  	_ =	shalt  }
0x54: {  	_ =	shalt  }
0x55: {  	_ =	shalt  }
0x56: {  	_ =	shalt  }
0x57: {  	_ =	shalt  }
0x58: {  	_ =	shalt  }
0x59: {  	_ =	shalt  }
0x5a: {  	_ =	shalt  }
0x5b: {  	_ =	shalt  }
0x5c: {  	_ =	shalt  }
0x5d: {  	_ =	shalt  }
0x5e: {  	_ =	shalt  }
0x5f: {  	_ =	shalt  }
0x60: {  	_ =	shalt  }
0x61: {  	_ =	shalt  }
0x62: {  	_ =	shalt  }
0x63: {  	_ =	shalt  }
0x64: {  	_ =	shalt  }
0x65: {  	_ =	shalt  }
0x66: {  	_ =	shalt  }
0x67: {  	_ =	shalt  }
0x68: {  	_ =	shalt  }
0x69: {  	_ =	shalt  }
0x6a: {  	_ =	shalt  }
0x6b: {  	_ =	shalt  }
0x6c: {  	_ =	shalt  }
0x6d: {  	_ =	shalt  }
0x6e: {  	_ =	shalt  }
0x6f: {  	_ =	shalt  }
0x70: {  	_ =	shalt  }
0x71: {  	_ =	shalt  }
0x72: {  	_ =	shalt  }
0x73: {  	_ =	shalt  }
0x74: {  	_ =	shalt  }
0x75: {  	_ =	shalt  }
0x76: {  	_ =	shalt  }
0x77: {  	_ =	shalt  }
0x78: {  	_ =	shalt  }
0x79: {  	_ =	shalt  }
0x7a: {  	_ =	shalt  }
0x7b: {  	_ =	shalt  }
0x7c: {  	_ =	shalt  }
0x7d: {  	_ =	shalt  }
0x7e: {  	_ =	shalt  }
0x7f: {  	_ =	shalt  }
0x80: {  	_ =	shalt  }
0x81: {  	_ =	shalt  }
0x82: {  	_ =	shalt  }
0x83: {  	_ =	shalt  }
0x84: {  	_ =	shalt  }
0x85: {  	_ =	shalt  }
0x86: {  	_ =	shalt  }
0x87: {  	_ =	shalt  }
.Lfunc_end0:
.L_simem_size_0:
called_computation.1_lowered:
.L_overlay_start_0:
0x88: {  	s2 =	sld [smem:$0x3FD9]  }
0x89: {  	s3 =	sld [smem:$0x3FFE];
	_ =	sdelay $0x1  }
0x8a: {  	s1 =	srdreg.scid  }
0x8b: {  	s0 =	sand.u32 $0x1, s1  }
0x8c: {  	s17 =	sshll.u32 s0, $0xA;
	s2 =	sadd.s32 s3, s2  }
0x8d: {  	s2 =	sadd.s32 s2, s17  }
0x8e: {  	[smem:$0x3FC6] =	sst s2  }
0x8f: {  	_ = 	snop  }
0x90: {  	s2 =	sld [smem:$0x3FD0];
	(tm) =	ssettm $0x1  }
0x91: {  	s18 =	sld [smem:$0x3FFB];
	_ =	sdelay $0x3  }
0x92: {  	_ =	strace s18  }
0x93: {  	s3 =	sld [smem:$0x3FFC];
	_ =	sdelay $0x3  }
0x94: {  	_ =	strace s3  }
0x95: {  	s3 =	sld [smem:$0x3FFD];
	_ =	sdelay $0x3  }
0x96: {  	_ =	strace s3  }
0x97: {  	_ =	strace $0x8FFFFFFF  }
0x98: {  	s19 =	sld [smem:$0x3FDB];
	_ =	sdelay $0x1  }
0x99: {  	s4 =	simm.s32 $_scs_section_size  }
0x9a: {  	s5 =	simm.s32 $_size__tile_overlayer_lowered;
	s6 =	simm.s32 $_tile_overlayer_lowered  }
0x9b: {  	s22 =	simm.s32 $0x1BFF;
	s21 =	sshll.u32 s6, $0x1;
	s3 =	sadd.s32 s4, s19  }
0x9c: {  	s7 =	simm.s32 $0x0;
	s20 =	sshll.u32 s5, $0x1;
	s5 =	sadd.s32 s21, s3  }
0x9d: {  	[timem:s7], [sflag:s22] =	dma.local [hbm:s5], s20  }
0x9e: {  	_ =	swait.ge [sflag:s22], s20  }
0x9f: {  	s4 =	ssub.s32 $0x0, s20;
	[sflag:s22] =	ssyncset.done $0x0  }
0xa0: {  	[sflag:s22] =	ssyncadd.s32 s4;
	_ =	sdelay $0x1  }
0xa1: {  	s23 =	simm.s32 $0x1B8B  }
0xa2: {  	_ =	swait.ge [sflag:s23], $0x1  }
0xa3: {  	[sflag:s23] =	ssyncset.done $0x0  }
0xa4: {  	s25 =	simm.s32 $0x1B8E;
	s24 =	sld [smem:$0x3FFE];
	[sflag:s23] =	ssyncadd.s32 $0xFFFFFFFF  }
0xa5: {  	s26 =	simm.s32 $execute0_lowered;
	[smem:$0x3FD2] =	sst s25  }
0xa6: {  	s5 =	sshll.u32 s26, $0x1;
	_ =	strace $0x80000046;
	[dreg:$0x1] =	wrdreg $0xFFFFFFFF  }
0xa7: {  	s28 =	simm.s32 $_size_execute0_lowered;
	s3 =	sadd.s32 s3, s5;
	[dreg:$0x0] =	wrdreg $0x0  }
0xa8: {  	s5 =	sshll.u32 s28, $0x1;
	[dreg:$0x2] =	wrdreg s3  }
0xa9: {  	[dreg:$0x3] =	wrdreg s5  }
0xaa: {  	[dreg:$0x4] =	wrdreg $0xC0  }
0xab: {  	_ =	task [dreg:s7], $0x5FFFF  }
0xac: {  	[dreg:$0x1] =	wrdreg $0xFFFFFFFF  }
0xad: {  	[dreg:$0x0] =	wrdreg $0x60  }
0xae: {  	[dreg:$0x2] =	wrdreg s24  }
0xaf: {  	[dreg:$0x3] =	wrdreg s2  }
0xb0: {  	[dreg:$0x4] =	wrdreg $0x9  }
0xb1: {  	_ =	task.clear_ibuf [dreg:s7], $0x5FFFF;
	_ =	strace $0x90000046  }
0xb2: {  	s29 =	simm.s32 $0x9;
	_ =	strace $0x80000048  }
0xb3: {  	_ =	swait.ge [sflag:s29], $0x1  }
0xb4: {  	[sflag:s29] =	ssyncadd.s32 $0xFFFFFFFF  }
0xb5: {  	_ =	strace $0x90000048  }
0xb6: {  	_ =	sfence  }
0xb7: {  	s30 =	sld [smem:$0x0];
	_ =	sdelay $0x2  }
0xb8: {  	s31 =	sshll.u32 s1, $0xD;
	s1 =	sshrl.u32 s1, $0x2  }
0xb9: {  	s3 =	sand.u32 $0x4000, s31;
	s1 =	sadd.s32 s1, s30  }
0xba: {  	s0 =	sor.u32 s3, s0;
	s1 =	sshll.u32 s1, $0x11  }
0xbb: {  	s0 =	sor.u32 s1, s0  }
0xbc: {  	s0 =	sadd.s32 $0x8F2B, s0  }
0xbd: {  	[sflag:s0] =	ssyncadd.remote.s32 $0x1  }
0xbe: {  	_ =	sfence.sel $0xFFFF  }
0xbf: {  	[dreg:$0x0] =	wrdreg $0xFFFFFFFF;
	(pc) =	sbr.abs _section_cstart, $3  }
0xc0: {  	[dreg:$0x1] =	wrdreg $0xFFFFFFFF  }
0xc1: {  	_ =	task.clear_ibuf [dreg:s7], $0x2FFFF;
	_ =	strace $0x9FFFFFFF  }
0xc2: {  	(tm) =	ssettm $0x7FFFFFFF  }
0xc3: {  	_ =	shalt  }
tec
execute0_lowered:
.L_overlay_start_1:
0x0: {  	(tag) =	ssettag $0x1  }
0x1: {  	s4 =	rddreg [dreg:$0x0];
	s1 =	srdreg.scid  }
0x2: {  	s0 =	stileid.u32;
	s2 =	rddreg [dreg:$0x1];
	s3 =	simm.s32 $0x0  }
0x3: {  	s9 =	simm.s32 $0xC8;
	s10 =	simm.s32 $0x6400;
	s11 =	simm.s32 $0x9600  }
0x4: {  	s12 =	simm.s32 $0xC800;
	s13 =	simm.s32 $0xFA00;
	s14 =	simm.s32 $0x1  }
0x5: {  	s15 =	simm.s32 $0x2;
	s16 =	simm.s32 $0x3;
	s17 =	simm.s32 $0x4  }
0x6: {  	s18 =	simm.s32 $0x5;
	s5 =	sand.u32 $0x1, s1;
	s6 =	sshll.u32 s0, $0x1  }
0x7: {  	s19 =	simm.s32 $0x0;
	s6 =	sor.u32 s5, s6;
	s5 =	ssub.s32 $0x2, s5  }
0x8: {  	[smem:$0x7FF] =	sst s3;
	s7 =	smul.u32 $0xC80, s6;
	s8 =	sshrl.u32 s5, $0x1  }
0x9: {  	s1 =	rddreg [dreg:$0x2];
	_ =	strace $0x80000047;
	s8 =	ssub.s32 s5, s8  }
0xa: {  	s5 =	sshll.u32 s6, $0x7;
	s7 =	sadd.s32 s7, s4;
	s4 =	sadd.s32 $0xF42E00, s4  }
0xb: {  	s6 =	sadd.s32 $0xA00, s7;
	s7 =	smax.u32 s8, $0x1;
	s8 =	simm.s32 $0x6  }
.LBB2_1:
0xc: {  	[tilespmem:s3], [sflag:$0x6] =	stream.linear.gather [hbm4b:s6+s3], $0x6400, $0x38;
	[tilespmem:$0x12C00] =	vst v63  }
0xd: {  	_ =	swait.ge [sflag:s8], $0x6400  }
0xe: {  	[sflag:s8] =	ssyncset.done $0x0  }
0xf: {  	s20 =	simm.s32 $0x0;
	[sflag:s8] =	ssyncadd.s32 $0xFFFF9C00  }
.LBB2_2:
0x10: {  	s21 =	smul.u32 $0xC80, s20;
	_ =	sdelay $0x1  }
0x11: {  	s21 =	sshra.s32 s21, $0x2  }
0x12: {  	[tilespmem:s10], [sflag:$0x1] =	stream.indirect.gather [hbm4b:s4+s9], $0x40, s21, s9, $0xb8;
	[tilespmem:$0x12C00] =	vst v63  }
0x13: {  	s22 =	sadd.s32 $0xC8, s21  }
0x14: {  	[tilespmem:s11], [sflag:$0x2] =	stream.indirect.gather [hbm4b:s4+s9], $0x40, s22, s9, $0xb8;
	[tilespmem:$0x12C00] =	vst v63  }
0x15: {  	s31 =	sadd.s32 $0x190, s21  }
0x16: {  	[tilespmem:s12], [sflag:$0x3] =	stream.indirect.gather [hbm4b:s4+s9], $0x40, s31, s9, $0xb8;
	[tilespmem:$0x12C00] =	vst v63  }
0x17: {  	s21 =	sadd.s32 $0x258, s21  }
0x18: {  	[tilespmem:s13], [sflag:$0x4] =	stream.indirect.gather [hbm4b:s4+s9], $0x40, s21, s9, $0xb8;
	[tilespmem:$0x12C00] =	vst v63  }
0x19: {  	_ =	swait.ge [sflag:s14], $0x3200  }
0x1a: {  	[sflag:s14] =	ssyncset.done $0x0  }
0x1b: {  	s22 =	simm.s32 $0x0;
	[sflag:s14] =	ssyncadd.s32 $0xFFFFCE00  }
0x1c: {  	v0 =	vld [tilespmem:s22+$0x6400]  }
0x1d: {  	v1 =	vld [tilespmem:s22+$0x6410]  }
0x1e: {  	v2 =	vld [tilespmem:s22+$0x6420]  }
0x1f: {  	v3 =	vld [tilespmem:s22+$0x6430]  }
0x20: {  	v4 =	vld [tilespmem:s22+$0x6440]  }
0x21: {  	v5 =	vld [tilespmem:s22+$0x6450];
	v0 =	vmul.f32 $8.000000000e+00, v0  }
0x22: {  	v6 =	vld [tilespmem:s22+$0x6460];
	v1 =	vmul.f32 $8.000000000e+00, v1  }
0x23: {  	v7 =	vld [tilespmem:s22+$0x6470];
	[tilespmem:s22+$0x6400] =	vst v0;
	v0 =	vmul.f32 $8.000000000e+00, v2  }
0x24: {  	v8 =	vld [tilespmem:s22+$0x6480];
	[tilespmem:s22+$0x6410] =	vst v1;
	v1 =	vmul.f32 $8.000000000e+00, v3  }
0x25: {  	v9 =	vld [tilespmem:s22+$0x6490];
	[tilespmem:s22+$0x6420] =	vst v0;
	v0 =	vmul.f32 $8.000000000e+00, v4  }
0x26: {  	v2 =	vmul.f32 $8.000000000e+00, v5;
	[tilespmem:s22+$0x6430] =	vst v1;
	v1 =	vld [tilespmem:s22+$0x64A0]  }
0x27: {  	v3 =	vmul.f32 $8.000000000e+00, v6;
	[tilespmem:s22+$0x6440] =	vst v0;
	v0 =	vld [tilespmem:s22+$0x64B0]  }
0x28: {  	[tilespmem:s22+$0x6450] =	vst v2;
	v2 =	vld [tilespmem:s22+$0x64C0];
	v4 =	vmul.f32 $8.000000000e+00, v7  }
0x29: {  	v6 =	vmul.f32 $8.000000000e+00, v8;
	[tilespmem:s22+$0x6460] =	vst v3;
	v3 =	vld [tilespmem:s22+$0x64D0]  }
0x2a: {  	s21 =	simm.s32 $0x400;
	v5 =	vmul.f32 $8.000000000e+00, v9;
	[tilespmem:s22+$0x6470] =	vst v4;
	v4 =	vld [tilespmem:s22+$0x64E0]  }
.LBB2_3:
0x2b: {  	s23 =	sshra.s32 s21, $0x2;
	p0 =	sne.s32 s21, $0xC400;
	[tilespmem:s22+$0x6480] =	vst v6;
	v1 =	vmul.f32 $8.000000000e+00, v1;
	v6 =	vld [tilespmem:s22+$0x64F0]  }
0x2c: {  	v7 =	vld [tilespmem:s23+$0x6400];
	[tilespmem:s22+$0x6490] =	vst v5;
	v0 =	vmul.f32 $8.000000000e+00, v0  }
0x2d: {  	v5 =	vld [tilespmem:s23+$0x6410];
	[tilespmem:s22+$0x64A0] =	vst v1;
	v1 =	vmul.f32 $8.000000000e+00, v2  }
0x2e: {  	v2 =	vld [tilespmem:s23+$0x6420];
	[tilespmem:s22+$0x64B0] =	vst v0;
	v0 =	vmul.f32 $8.000000000e+00, v3  }
0x2f: {  	v3 =	vld [tilespmem:s23+$0x6430];
	[tilespmem:s22+$0x64C0] =	vst v1;
	v1 =	vmul.f32 $8.000000000e+00, v4  }
0x30: {  	v4 =	vld [tilespmem:s23+$0x6440];
	[tilespmem:s22+$0x64D0] =	vst v0;
	v0 =	vmul.f32 $8.000000000e+00, v6  }
0x31: {  	v6 =	vmul.f32 $8.000000000e+00, v7;
	v7 =	vld [tilespmem:s23+$0x6450];
	[tilespmem:s22+$0x64E0] =	vst v1  }
0x32: {  	v1 =	vmul.f32 $8.000000000e+00, v5;
	v5 =	vld [tilespmem:s23+$0x6460];
	[tilespmem:s22+$0x64F0] =	vst v0;
	s22 =	smov.u32 s23  }
0x33: {  	[tilespmem:s22+$0x6400] =	vst v6;
	v0 =	vmul.f32 $8.000000000e+00, v2;
	v2 =	vld [tilespmem:s22+$0x6470]  }
0x34: {  	[tilespmem:s22+$0x6410] =	vst v1;
	v1 =	vmul.f32 $8.000000000e+00, v3;
	v3 =	vld [tilespmem:s22+$0x6480]  }
0x35: {  	[tilespmem:s22+$0x6420] =	vst v0;
	v0 =	vmul.f32 $8.000000000e+00, v4;
	v4 =	vld [tilespmem:s22+$0x6490]  }
.Ltmp0:
0x36: {  	[tilespmem:s22+$0x6430] =	vst v1;
	v6 =	vmul.f32 $8.000000000e+00, v7;
	v1 =	vld [tilespmem:s22+$0x64A0];
	(pc) =	sbr.rel @p0 .LBB2_3-.Ltmp0, $4  }
0x37: {  	[tilespmem:s22+$0x6440] =	vst v0;
	v5 =	vmul.f32 $8.000000000e+00, v5;
	v0 =	vld [tilespmem:s22+$0x64B0]  }
0x38: {  	[tilespmem:s22+$0x6450] =	vst v6;
	v7 =	vmul.f32 $8.000000000e+00, v2;
	v2 =	vld [tilespmem:s22+$0x64C0]  }
0x39: {  	[tilespmem:s22+$0x6460] =	vst v5;
	v6 =	vmul.f32 $8.000000000e+00, v3;
	v3 =	vld [tilespmem:s22+$0x64D0]  }
0x3a: {  	s21 =	sadd.s32 $0x400, s21;
	[tilespmem:s22+$0x6470] =	vst v7;
	v5 =	vmul.f32 $8.000000000e+00, v4;
	v4 =	vld [tilespmem:s22+$0x64E0]  }
0x3b: {  	[tilespmem:s22+$0x6480] =	vst v6;
	v1 =	vmul.f32 $8.000000000e+00, v1;
	v6 =	vld [tilespmem:s22+$0x64F0]  }
0x3c: {  	[tilespmem:s22+$0x6490] =	vst v5;
	v0 =	vmul.f32 $8.000000000e+00, v0  }
0x3d: {  	[tilespmem:s22+$0x64A0] =	vst v1;
	v1 =	vmul.f32 $8.000000000e+00, v2  }
0x3e: {  	s21 =	sshll.u32 s20, $0x2;
	[tilespmem:s22+$0x64B0] =	vst v0;
	v0 =	vmul.f32 $8.000000000e+00, v3  }
0x3f: {  	s21 =	sadd.s32 s5, s21;
	[tilespmem:s22+$0x64C0] =	vst v1;
	v1 =	vmul.f32 $8.000000000e+00, v4  }
0x40: {  	s23 =	smul.u32 $0x640, s21;
	[tilespmem:s22+$0x64D0] =	vst v0;
	v0 =	vmul.f32 $8.000000000e+00, v6  }
0x41: {  	[tilespmem:s22+$0x64E0] =	vst v1  }
0x42: {  	s31 =	simm.s32 $0x0;
	s30 =	sadd.s32 s2, s23;
	[tilespmem:s22+$0x64F0] =	vst v0  }
0x43: {  	[hbm4b:s30+s31] =	stream.linear.scatter [tilespmem:s10], [sflag:$0x5], $0x3200, $0x38;
	[tilespmem:$0x12C00] =	vst v63  }
0x44: {  	_ =	swait.ge [sflag:s15], $0x3200  }
0x45: {  	[sflag:s15] =	ssyncset.done $0x0  }
0x46: {  	s22 =	simm.s32 $0x0;
	[sflag:s15] =	ssyncadd.s32 $0xFFFFCE00  }
0x47: {  	v0 =	vld [tilespmem:s22+$0x9600]  }
0x48: {  	v1 =	vld [tilespmem:s22+$0x9610]  }
0x49: {  	v2 =	vld [tilespmem:s22+$0x9620]  }
0x4a: {  	v3 =	vld [tilespmem:s22+$0x9630]  }
0x4b: {  	v4 =	vld [tilespmem:s22+$0x9640]  }
0x4c: {  	v5 =	vld [tilespmem:s22+$0x9650];
	v0 =	vmul.f32 $8.000000000e+00, v0  }
0x4d: {  	v6 =	vld [tilespmem:s22+$0x9660];
	v1 =	vmul.f32 $8.000000000e+00, v1  }
0x4e: {  	v7 =	vld [tilespmem:s22+$0x9670];
	[tilespmem:s22+$0x9600] =	vst v0;
	v0 =	vmul.f32 $8.000000000e+00, v2  }
0x4f: {  	v8 =	vld [tilespmem:s22+$0x9680];
	[tilespmem:s22+$0x9610] =	vst v1;
	v1 =	vmul.f32 $8.000000000e+00, v3  }
0x50: {  	v9 =	vld [tilespmem:s22+$0x9690];
	[tilespmem:s22+$0x9620] =	vst v0;
	v0 =	vmul.f32 $8.000000000e+00, v4  }
0x51: {  	v2 =	vmul.f32 $8.000000000e+00, v5;
	[tilespmem:s22+$0x9630] =	vst v1;
	v1 =	vld [tilespmem:s22+$0x96A0]  }
0x52: {  	v3 =	vmul.f32 $8.000000000e+00, v6;
	[tilespmem:s22+$0x9640] =	vst v0;
	v0 =	vld [tilespmem:s22+$0x96B0]  }
0x53: {  	[tilespmem:s22+$0x9650] =	vst v2;
	v2 =	vld [tilespmem:s22+$0x96C0];
	v4 =	vmul.f32 $8.000000000e+00, v7  }
0x54: {  	v6 =	vmul.f32 $8.000000000e+00, v8;
	[tilespmem:s22+$0x9660] =	vst v3;
	v3 =	vld [tilespmem:s22+$0x96D0]  }
0x55: {  	s23 =	simm.s32 $0x400;
	v5 =	vmul.f32 $8.000000000e+00, v9;
	[tilespmem:s22+$0x9670] =	vst v4;
	v4 =	vld [tilespmem:s22+$0x96E0]  }
.LBB2_5:
0x56: {  	s24 =	sshra.s32 s23, $0x2;
	p0 =	sne.s32 s23, $0xC400;
	[tilespmem:s22+$0x9680] =	vst v6;
	v1 =	vmul.f32 $8.000000000e+00, v1;
	v6 =	vld [tilespmem:s22+$0x96F0]  }
0x57: {  	v7 =	vld [tilespmem:s24+$0x9600];
	[tilespmem:s22+$0x9690] =	vst v5;
	v0 =	vmul.f32 $8.000000000e+00, v0  }
0x58: {  	v5 =	vld [tilespmem:s24+$0x9610];
	[tilespmem:s22+$0x96A0] =	vst v1;
	v1 =	vmul.f32 $8.000000000e+00, v2  }
0x59: {  	v2 =	vld [tilespmem:s24+$0x9620];
	[tilespmem:s22+$0x96B0] =	vst v0;
	v0 =	vmul.f32 $8.000000000e+00, v3  }
0x5a: {  	v3 =	vld [tilespmem:s24+$0x9630];
	[tilespmem:s22+$0x96C0] =	vst v1;
	v1 =	vmul.f32 $8.000000000e+00, v4  }
0x5b: {  	v4 =	vld [tilespmem:s24+$0x9640];
	[tilespmem:s22+$0x96D0] =	vst v0;
	v0 =	vmul.f32 $8.000000000e+00, v6  }
0x5c: {  	v6 =	vmul.f32 $8.000000000e+00, v7;
	v7 =	vld [tilespmem:s24+$0x9650];
	[tilespmem:s22+$0x96E0] =	vst v1  }
0x5d: {  	v1 =	vmul.f32 $8.000000000e+00, v5;
	v5 =	vld [tilespmem:s24+$0x9660];
	[tilespmem:s22+$0x96F0] =	vst v0;
	s22 =	smov.u32 s24  }
0x5e: {  	[tilespmem:s22+$0x9600] =	vst v6;
	v0 =	vmul.f32 $8.000000000e+00, v2;
	v2 =	vld [tilespmem:s22+$0x9670]  }
0x5f: {  	[tilespmem:s22+$0x9610] =	vst v1;
	v1 =	vmul.f32 $8.000000000e+00, v3;
	v3 =	vld [tilespmem:s22+$0x9680]  }
0x60: {  	[tilespmem:s22+$0x9620] =	vst v0;
	v0 =	vmul.f32 $8.000000000e+00, v4;
	v4 =	vld [tilespmem:s22+$0x9690]  }
.Ltmp1:
0x61: {  	[tilespmem:s22+$0x9630] =	vst v1;
	v6 =	vmul.f32 $8.000000000e+00, v7;
	v1 =	vld [tilespmem:s22+$0x96A0];
	(pc) =	sbr.rel @p0 .LBB2_5-.Ltmp1, $4  }
0x62: {  	[tilespmem:s22+$0x9640] =	vst v0;
	v5 =	vmul.f32 $8.000000000e+00, v5;
	v0 =	vld [tilespmem:s22+$0x96B0]  }
0x63: {  	[tilespmem:s22+$0x9650] =	vst v6;
	v7 =	vmul.f32 $8.000000000e+00, v2;
	v2 =	vld [tilespmem:s22+$0x96C0]  }
0x64: {  	[tilespmem:s22+$0x9660] =	vst v5;
	v6 =	vmul.f32 $8.000000000e+00, v3;
	v3 =	vld [tilespmem:s22+$0x96D0]  }
0x65: {  	s23 =	sadd.s32 $0x400, s23;
	[tilespmem:s22+$0x9670] =	vst v7;
	v5 =	vmul.f32 $8.000000000e+00, v4;
	v4 =	vld [tilespmem:s22+$0x96E0]  }
0x66: {  	[tilespmem:s22+$0x9680] =	vst v6;
	v1 =	vmul.f32 $8.000000000e+00, v1;
	v6 =	vld [tilespmem:s22+$0x96F0]  }
0x67: {  	[tilespmem:s22+$0x9690] =	vst v5;
	v0 =	vmul.f32 $8.000000000e+00, v0  }
0x68: {  	[tilespmem:s22+$0x96A0] =	vst v1;
	v1 =	vmul.f32 $8.000000000e+00, v2  }
0x69: {  	s21 =	smul.u32 $0x3200, s21;
	[tilespmem:s22+$0x96B0] =	vst v0;
	v0 =	vmul.f32 $8.000000000e+00, v3  }
0x6a: {  	[tilespmem:s22+$0x96C0] =	vst v1;
	v1 =	vmul.f32 $8.000000000e+00, v4  }
0x6b: {  	s21 =	sshrl.u32 s21, $0x3;
	[tilespmem:s22+$0x96D0] =	vst v0;
	v0 =	vmul.f32 $8.000000000e+00, v6  }
0x6c: {  	s21 =	sadd.s32 s2, s21;
	[tilespmem:s22+$0x96E0] =	vst v1  }
0x6d: {  	s23 =	simm.s32 $0x0;
	s31 =	sadd.s32 $0x640, s21;
	[tilespmem:s22+$0x96F0] =	vst v0  }
0x6e: {  	[hbm4b:s31+s23] =	stream.linear.scatter [tilespmem:s11], [sflag:$0x5], $0x3200, $0x38;
	[tilespmem:$0x12C00] =	vst v63  }
0x6f: {  	_ =	swait.ge [sflag:s16], $0x3200  }
0x70: {  	[sflag:s16] =	ssyncset.done $0x0  }
0x71: {  	s22 =	simm.s32 $0x0;
	[sflag:s16] =	ssyncadd.s32 $0xFFFFCE00  }
0x72: {  	v0 =	vld [tilespmem:s22+$0xC800]  }
0x73: {  	v1 =	vld [tilespmem:s22+$0xC810]  }
0x74: {  	v2 =	vld [tilespmem:s22+$0xC820]  }
0x75: {  	v3 =	vld [tilespmem:s22+$0xC830]  }
0x76: {  	v4 =	vld [tilespmem:s22+$0xC840]  }
0x77: {  	v5 =	vld [tilespmem:s22+$0xC850];
	v0 =	vmul.f32 $8.000000000e+00, v0  }
0x78: {  	v6 =	vld [tilespmem:s22+$0xC860];
	v1 =	vmul.f32 $8.000000000e+00, v1  }
0x79: {  	v7 =	vld [tilespmem:s22+$0xC870];
	[tilespmem:s22+$0xC800] =	vst v0;
	v0 =	vmul.f32 $8.000000000e+00, v2  }
0x7a: {  	v8 =	vld [tilespmem:s22+$0xC880];
	[tilespmem:s22+$0xC810] =	vst v1;
	v1 =	vmul.f32 $8.000000000e+00, v3  }
0x7b: {  	v9 =	vld [tilespmem:s22+$0xC890];
	[tilespmem:s22+$0xC820] =	vst v0;
	v0 =	vmul.f32 $8.000000000e+00, v4  }
0x7c: {  	v2 =	vmul.f32 $8.000000000e+00, v5;
	[tilespmem:s22+$0xC830] =	vst v1;
	v1 =	vld [tilespmem:s22+$0xC8A0]  }
0x7d: {  	v3 =	vmul.f32 $8.000000000e+00, v6;
	[tilespmem:s22+$0xC840] =	vst v0;
	v0 =	vld [tilespmem:s22+$0xC8B0]  }
0x7e: {  	[tilespmem:s22+$0xC850] =	vst v2;
	v2 =	vld [tilespmem:s22+$0xC8C0];
	v4 =	vmul.f32 $8.000000000e+00, v7  }
0x7f: {  	v6 =	vmul.f32 $8.000000000e+00, v8;
	[tilespmem:s22+$0xC860] =	vst v3;
	v3 =	vld [tilespmem:s22+$0xC8D0]  }
0x80: {  	s23 =	simm.s32 $0x400;
	v5 =	vmul.f32 $8.000000000e+00, v9;
	[tilespmem:s22+$0xC870] =	vst v4;
	v4 =	vld [tilespmem:s22+$0xC8E0]  }
.LBB2_7:
0x81: {  	s24 =	sshra.s32 s23, $0x2;
	p0 =	sne.s32 s23, $0xC400;
	[tilespmem:s22+$0xC880] =	vst v6;
	v1 =	vmul.f32 $8.000000000e+00, v1;
	v6 =	vld [tilespmem:s22+$0xC8F0]  }
0x82: {  	v7 =	vld [tilespmem:s24+$0xC800];
	[tilespmem:s22+$0xC890] =	vst v5;
	v0 =	vmul.f32 $8.000000000e+00, v0  }
0x83: {  	v5 =	vld [tilespmem:s24+$0xC810];
	[tilespmem:s22+$0xC8A0] =	vst v1;
	v1 =	vmul.f32 $8.000000000e+00, v2  }
0x84: {  	v2 =	vld [tilespmem:s24+$0xC820];
	[tilespmem:s22+$0xC8B0] =	vst v0;
	v0 =	vmul.f32 $8.000000000e+00, v3  }
0x85: {  	v3 =	vld [tilespmem:s24+$0xC830];
	[tilespmem:s22+$0xC8C0] =	vst v1;
	v1 =	vmul.f32 $8.000000000e+00, v4  }
0x86: {  	v4 =	vld [tilespmem:s24+$0xC840];
	[tilespmem:s22+$0xC8D0] =	vst v0;
	v0 =	vmul.f32 $8.000000000e+00, v6  }
0x87: {  	v6 =	vmul.f32 $8.000000000e+00, v7;
	v7 =	vld [tilespmem:s24+$0xC850];
	[tilespmem:s22+$0xC8E0] =	vst v1  }
0x88: {  	v1 =	vmul.f32 $8.000000000e+00, v5;
	v5 =	vld [tilespmem:s24+$0xC860];
	[tilespmem:s22+$0xC8F0] =	vst v0;
	s22 =	smov.u32 s24  }
0x89: {  	[tilespmem:s22+$0xC800] =	vst v6;
	v0 =	vmul.f32 $8.000000000e+00, v2;
	v2 =	vld [tilespmem:s22+$0xC870]  }
0x8a: {  	[tilespmem:s22+$0xC810] =	vst v1;
	v1 =	vmul.f32 $8.000000000e+00, v3;
	v3 =	vld [tilespmem:s22+$0xC880]  }
0x8b: {  	[tilespmem:s22+$0xC820] =	vst v0;
	v0 =	vmul.f32 $8.000000000e+00, v4;
	v4 =	vld [tilespmem:s22+$0xC890]  }
.Ltmp2:
0x8c: {  	[tilespmem:s22+$0xC830] =	vst v1;
	v6 =	vmul.f32 $8.000000000e+00, v7;
	v1 =	vld [tilespmem:s22+$0xC8A0];
	(pc) =	sbr.rel @p0 .LBB2_7-.Ltmp2, $4  }
0x8d: {  	[tilespmem:s22+$0xC840] =	vst v0;
	v5 =	vmul.f32 $8.000000000e+00, v5;
	v0 =	vld [tilespmem:s22+$0xC8B0]  }
0x8e: {  	[tilespmem:s22+$0xC850] =	vst v6;
	v7 =	vmul.f32 $8.000000000e+00, v2;
	v2 =	vld [tilespmem:s22+$0xC8C0]  }
0x8f: {  	[tilespmem:s22+$0xC860] =	vst v5;
	v6 =	vmul.f32 $8.000000000e+00, v3;
	v3 =	vld [tilespmem:s22+$0xC8D0]  }
0x90: {  	s23 =	sadd.s32 $0x400, s23;
	[tilespmem:s22+$0xC870] =	vst v7;
	v5 =	vmul.f32 $8.000000000e+00, v4;
	v4 =	vld [tilespmem:s22+$0xC8E0]  }
0x91: {  	[tilespmem:s22+$0xC880] =	vst v6;
	v1 =	vmul.f32 $8.000000000e+00, v1;
	v6 =	vld [tilespmem:s22+$0xC8F0]  }
0x92: {  	[tilespmem:s22+$0xC890] =	vst v5;
	v0 =	vmul.f32 $8.000000000e+00, v0  }
0x93: {  	[tilespmem:s22+$0xC8A0] =	vst v1;
	v1 =	vmul.f32 $8.000000000e+00, v2  }
0x94: {  	[tilespmem:s22+$0xC8B0] =	vst v0;
	v0 =	vmul.f32 $8.000000000e+00, v3  }
0x95: {  	[tilespmem:s22+$0xC8C0] =	vst v1;
	v1 =	vmul.f32 $8.000000000e+00, v4  }
0x96: {  	[tilespmem:s22+$0xC8D0] =	vst v0;
	v0 =	vmul.f32 $8.000000000e+00, v6  }
0x97: {  	[tilespmem:s22+$0xC8E0] =	vst v1  }
0x98: {  	s31 =	sadd.s32 $0xC80, s21;
	s23 =	simm.s32 $0x0;
	[tilespmem:s22+$0xC8F0] =	vst v0  }
0x99: {  	[hbm4b:s31+s23] =	stream.linear.scatter [tilespmem:s12], [sflag:$0x5], $0x3200, $0x38;
	[tilespmem:$0x12C00] =	vst v63  }
0x9a: {  	_ =	swait.ge [sflag:s17], $0x3200  }
0x9b: {  	[sflag:s17] =	ssyncset.done $0x0  }
0x9c: {  	s22 =	simm.s32 $0x0;
	[sflag:s17] =	ssyncadd.s32 $0xFFFFCE00  }
0x9d: {  	v0 =	vld [tilespmem:s22+$0xFA00]  }
0x9e: {  	v1 =	vld [tilespmem:s22+$0xFA10]  }
0x9f: {  	v2 =	vld [tilespmem:s22+$0xFA20]  }
0xa0: {  	v3 =	vld [tilespmem:s22+$0xFA30]  }
0xa1: {  	v4 =	vld [tilespmem:s22+$0xFA40]  }
0xa2: {  	v5 =	vld [tilespmem:s22+$0xFA50];
	v0 =	vmul.f32 $8.000000000e+00, v0  }
0xa3: {  	v6 =	vld [tilespmem:s22+$0xFA60];
	v1 =	vmul.f32 $8.000000000e+00, v1  }
0xa4: {  	v7 =	vld [tilespmem:s22+$0xFA70];
	[tilespmem:s22+$0xFA00] =	vst v0;
	v0 =	vmul.f32 $8.000000000e+00, v2  }
0xa5: {  	v8 =	vld [tilespmem:s22+$0xFA80];
	[tilespmem:s22+$0xFA10] =	vst v1;
	v1 =	vmul.f32 $8.000000000e+00, v3  }
0xa6: {  	v9 =	vld [tilespmem:s22+$0xFA90];
	[tilespmem:s22+$0xFA20] =	vst v0;
	v0 =	vmul.f32 $8.000000000e+00, v4  }
0xa7: {  	v2 =	vmul.f32 $8.000000000e+00, v5;
	[tilespmem:s22+$0xFA30] =	vst v1;
	v1 =	vld [tilespmem:s22+$0xFAA0]  }
0xa8: {  	v3 =	vmul.f32 $8.000000000e+00, v6;
	[tilespmem:s22+$0xFA40] =	vst v0;
	v0 =	vld [tilespmem:s22+$0xFAB0]  }
0xa9: {  	[tilespmem:s22+$0xFA50] =	vst v2;
	v2 =	vld [tilespmem:s22+$0xFAC0];
	v4 =	vmul.f32 $8.000000000e+00, v7  }
0xaa: {  	v6 =	vmul.f32 $8.000000000e+00, v8;
	[tilespmem:s22+$0xFA60] =	vst v3;
	v3 =	vld [tilespmem:s22+$0xFAD0]  }
0xab: {  	s23 =	simm.s32 $0x400;
	v5 =	vmul.f32 $8.000000000e+00, v9;
	[tilespmem:s22+$0xFA70] =	vst v4;
	v4 =	vld [tilespmem:s22+$0xFAE0]  }
.LBB2_9:
0xac: {  	s24 =	sshra.s32 s23, $0x2;
	p0 =	sne.s32 s23, $0xC400;
	[tilespmem:s22+$0xFA80] =	vst v6;
	v1 =	vmul.f32 $8.000000000e+00, v1;
	v6 =	vld [tilespmem:s22+$0xFAF0]  }
0xad: {  	v7 =	vld [tilespmem:s24+$0xFA00];
	[tilespmem:s22+$0xFA90] =	vst v5;
	v0 =	vmul.f32 $8.000000000e+00, v0  }
0xae: {  	v5 =	vld [tilespmem:s24+$0xFA10];
	[tilespmem:s22+$0xFAA0] =	vst v1;
	v1 =	vmul.f32 $8.000000000e+00, v2  }
0xaf: {  	v2 =	vld [tilespmem:s24+$0xFA20];
	[tilespmem:s22+$0xFAB0] =	vst v0;
	v0 =	vmul.f32 $8.000000000e+00, v3  }
0xb0: {  	v3 =	vld [tilespmem:s24+$0xFA30];
	[tilespmem:s22+$0xFAC0] =	vst v1;
	v1 =	vmul.f32 $8.000000000e+00, v4  }
0xb1: {  	v4 =	vld [tilespmem:s24+$0xFA40];
	[tilespmem:s22+$0xFAD0] =	vst v0;
	v0 =	vmul.f32 $8.000000000e+00, v6  }
0xb2: {  	v6 =	vmul.f32 $8.000000000e+00, v7;
	v7 =	vld [tilespmem:s24+$0xFA50];
	[tilespmem:s22+$0xFAE0] =	vst v1  }
0xb3: {  	v1 =	vmul.f32 $8.000000000e+00, v5;
	v5 =	vld [tilespmem:s24+$0xFA60];
	[tilespmem:s22+$0xFAF0] =	vst v0;
	s22 =	smov.u32 s24  }
0xb4: {  	[tilespmem:s22+$0xFA00] =	vst v6;
	v0 =	vmul.f32 $8.000000000e+00, v2;
	v2 =	vld [tilespmem:s22+$0xFA70]  }
0xb5: {  	[tilespmem:s22+$0xFA10] =	vst v1;
	v1 =	vmul.f32 $8.000000000e+00, v3;
	v3 =	vld [tilespmem:s22+$0xFA80]  }
0xb6: {  	[tilespmem:s22+$0xFA20] =	vst v0;
	v0 =	vmul.f32 $8.000000000e+00, v4;
	v4 =	vld [tilespmem:s22+$0xFA90]  }
.Ltmp3:
0xb7: {  	[tilespmem:s22+$0xFA30] =	vst v1;
	v6 =	vmul.f32 $8.000000000e+00, v7;
	v1 =	vld [tilespmem:s22+$0xFAA0];
	(pc) =	sbr.rel @p0 .LBB2_9-.Ltmp3, $4  }
0xb8: {  	[tilespmem:s22+$0xFA40] =	vst v0;
	v5 =	vmul.f32 $8.000000000e+00, v5;
	v0 =	vld [tilespmem:s22+$0xFAB0]  }
0xb9: {  	[tilespmem:s22+$0xFA50] =	vst v6;
	v7 =	vmul.f32 $8.000000000e+00, v2;
	v2 =	vld [tilespmem:s22+$0xFAC0]  }
0xba: {  	[tilespmem:s22+$0xFA60] =	vst v5;
	v6 =	vmul.f32 $8.000000000e+00, v3;
	v3 =	vld [tilespmem:s22+$0xFAD0]  }
0xbb: {  	s23 =	sadd.s32 $0x400, s23;
	[tilespmem:s22+$0xFA70] =	vst v7;
	v5 =	vmul.f32 $8.000000000e+00, v4;
	v4 =	vld [tilespmem:s22+$0xFAE0]  }
0xbc: {  	[tilespmem:s22+$0xFA80] =	vst v6;
	v1 =	vmul.f32 $8.000000000e+00, v1;
	v59 =	vld [tilespmem:s22+$0xFAF0]  }
0xbd: {  	[tilespmem:s22+$0xFA90] =	vst v5;
	v0 =	vmul.f32 $8.000000000e+00, v0  }
0xbe: {  	[tilespmem:s22+$0xFAA0] =	vst v1;
	v60 =	vmul.f32 $8.000000000e+00, v2  }
0xbf: {  	[tilespmem:s22+$0xFAB0] =	vst v0;
	v61 =	vmul.f32 $8.000000000e+00, v3  }
0xc0: {  	[tilespmem:s22+$0xFAC0] =	vst v60;
	v62 =	vmul.f32 $8.000000000e+00, v4  }
0xc1: {  	[tilespmem:s22+$0xFAD0] =	vst v61;
	v63 =	vmul.f32 $8.000000000e+00, v59  }
0xc2: {  	[tilespmem:s22+$0xFAE0] =	vst v62  }
0xc3: {  	s21 =	sadd.s32 $0x12C0, s21;
	[tilespmem:s22+$0xFAF0] =	vst v63  }
0xc4: {  	[hbm4b:s21+s3] =	stream.linear.scatter [tilespmem:s13], [sflag:$0x5], $0x3200, $0x38;
	[tilespmem:$0x12C00] =	vst v63  }
0xc5: {  	_ =	swait.ge [sflag:s18], $0x3200  }
0xc6: {  	[sflag:s18] =	ssyncset.done $0x0  }
0xc7: {  	[sflag:s18] =	ssyncadd.s32 $0xFFFFCE00  }
0xc8: {  	_ =	swait.ge [sflag:s18], $0x3200  }
0xc9: {  	[sflag:s18] =	ssyncset.done $0x0  }
0xca: {  	s20 =	sadd.s32 $0x1, s20;
	[sflag:s18] =	ssyncadd.s32 $0xFFFFCE00  }
0xcb: {  	p0 =	sne.s32 s20, $0x20;
	_ =	swait.ge [sflag:s18], $0x3200  }
.Ltmp4:
0xcc: {  	[sflag:s18] =	ssyncset.done $0x0;
	(pc) =	sbr.rel @p0 .LBB2_2-.Ltmp4, $4  }
0xcd: {  	[sflag:s18] =	ssyncadd.s32 $0xFFFFCE00  }
0xce: {  	_ =	swait.ge [sflag:s18], $0x3200  }
0xcf: {  	[sflag:s18] =	ssyncset.done $0x0  }
0xd0: {  	[sflag:s18] =	ssyncadd.s32 $0xFFFFCE00  }
0xd1: {  	s19 =	sadd.s32 $0x1, s19  }
0xd2: {  	p0 =	sne.s32 s19, s7  }
.Ltmp5:
0xd3: {  	_ = 	snop;
	(pc) =	sbr.rel @p0 .LBB2_1-.Ltmp5, $1  }
0xd4: {  	_ =	sdelay $0x3  }
0xd5: {  	_ =	sfence.sel $0x180000  }
0xd6: {  	[bflag:$0x0] =	sbarrier.arrive $0xFFFF  }
0xd7: {  	p0 =	sne.s32 s0, $0x0;
	_ =	strace $0x90000047  }
0xd8: {  	s0 =	sadd.s32 @!p0 $0x100000, s1;
	[bflag:$0x2] =	sbarrier.arrive $0xFFFF  }
0xd9: {  	[sflag:s0] =	ssyncadd.tile.s32 @!p0 $0x1;
	_ =	shalt  }
.Lfunc_end2:
_tile_overlayer_lowered:
.L_overlay_start_2:
0xda: {  	(tag) =	ssettag $0x2  }
0xdb: {  	s0 =	rddreg [dreg:$0x0];
	s2 =	stileid.u32  }
0xdc: {  	s1 =	rddreg [dreg:$0x1];
	p0 =	sne.s32 s2, $0x0  }
0xdd: {  	s3 =	rddreg [dreg:$0x2];
	[bflag:$0x3] =	sbarrier.arrive $0xFFFF;
	s2 =	simm.s32 @!p0 $0x1C06  }
0xde: {  	[timem:s3], [sflag:s2] =	dma.local @!p0 [hbm:s0], s1  }
0xdf: {  	s0 =	simm.s32 @!p0 $0x6  }
0xe0: {  	_ =	swait.ge @!p0 [sflag:s0], s1  }
0xe1: {  	s1 =	ssub.s32 @!p0 $0x0, s1;
	[sflag:s0] =	ssyncset.done @!p0 $0x0  }
0xe2: {  	[sflag:s0] =	ssyncadd.s32 @!p0 s1  }
0xe3: {  	[bflag:$0x3] =	sbarrier.arrive $0xFFFF  }
0xe4: {  	_ =	shalt  }

// kernel: sparse-core-data-format-call.cloned.1.call-start
scs
called_computation_lowered:
.L_overlay_start_0:
0x0: {  	s2 =	sld [smem:$0x3FD9]  }
0x1: {  	s3 =	sld [smem:$0x3FFE];
	_ =	sdelay $0x1  }
0x2: {  	s1 =	srdreg.scid  }
0x3: {  	s0 =	sand.u32 $0x1, s1  }
0x4: {  	s18 =	sshll.u32 s0, $0xA;
	s2 =	sadd.s32 s3, s2  }
0x5: {  	s2 =	sadd.s32 s2, s18  }
0x6: {  	[smem:$0x3FC6] =	sst s2  }
0x7: {  	_ = 	snop  }
0x8: {  	s2 =	sld [smem:$0x3FD0];
	(tm) =	ssettm $0x1  }
0x9: {  	s19 =	sld [smem:$0x3FFB];
	_ =	sdelay $0x3  }
0xa: {  	_ =	strace s19  }
0xb: {  	s3 =	sld [smem:$0x3FFC];
	_ =	sdelay $0x3  }
0xc: {  	_ =	strace s3  }
0xd: {  	s3 =	sld [smem:$0x3FFD];
	_ =	sdelay $0x3  }
0xe: {  	_ =	strace s3  }
0xf: {  	_ =	strace $0x8FFFFFFF  }
0x10: {  	s20 =	sld [smem:$0x3FDB];
	_ =	sdelay $0x1  }
0x11: {  	s4 =	simm.s32 $_scs_section_size  }
0x12: {  	s5 =	simm.s32 $_size__tile_overlayer_lowered;
	s6 =	simm.s32 $_tile_overlayer_lowered  }
0x13: {  	s23 =	simm.s32 $0x1BFF;
	s22 =	sshll.u32 s6, $0x1;
	s3 =	sadd.s32 s4, s20  }
0x14: {  	s7 =	simm.s32 $0x0;
	s21 =	sshll.u32 s5, $0x1;
	s5 =	sadd.s32 s22, s3  }
0x15: {  	[timem:s7], [sflag:s23] =	dma.local [hbm:s5], s21  }
0x16: {  	_ =	swait.ge [sflag:s23], s21  }
0x17: {  	s4 =	ssub.s32 $0x0, s21;
	[sflag:s23] =	ssyncset.done $0x0  }
0x18: {  	[sflag:s23] =	ssyncadd.s32 s4;
	_ =	sdelay $0x1  }
0x19: {  	s24 =	simm.s32 $0x1B8B  }
0x1a: {  	_ =	swait.ge [sflag:s24], $0x1  }
0x1b: {  	[sflag:s24] =	ssyncset.done $0x0  }
0x1c: {  	s26 =	simm.s32 $0x1B8E;
	s25 =	sld [smem:$0x3FFE];
	[sflag:s24] =	ssyncadd.s32 $0xFFFFFFFF  }
0x1d: {  	s27 =	simm.s32 $execute0_lowered;
	[smem:$0x3FD2] =	sst s26  }
0x1e: {  	s5 =	sshll.u32 s27, $0x1;
	_ =	strace $0x80000049;
	[dreg:$0x1] =	wrdreg $0xFFFFFFFF  }
0x1f: {  	s28 =	simm.s32 $_size_execute0_lowered;
	s3 =	sadd.s32 s3, s5;
	[dreg:$0x0] =	wrdreg $0x0  }
0x20: {  	s5 =	sshll.u32 s28, $0x1;
	[dreg:$0x2] =	wrdreg s3  }
0x21: {  	[dreg:$0x3] =	wrdreg s5  }
0x22: {  	[dreg:$0x4] =	wrdreg $0xC0  }
0x23: {  	_ =	task [dreg:s7], $0x5FFFF  }
0x24: {  	[dreg:$0x1] =	wrdreg $0xFFFFFFFF  }
0x25: {  	[dreg:$0x0] =	wrdreg $0x60  }
0x26: {  	[dreg:$0x2] =	wrdreg s25  }
0x27: {  	[dreg:$0x3] =	wrdreg s2  }
0x28: {  	[dreg:$0x4] =	wrdreg $0x9  }
0x29: {  	_ =	task.clear_ibuf [dreg:s7], $0x5FFFF;
	_ =	strace $0x90000049  }
0x2a: {  	s29 =	simm.s32 $0x9;
	_ =	strace $0x8000004B  }
0x2b: {  	_ =	swait.ge [sflag:s29], $0x1  }
0x2c: {  	[sflag:s29] =	ssyncadd.s32 $0xFFFFFFFF  }
0x2d: {  	_ =	strace $0x9000004B  }
0x2e: {  	_ =	sfence  }
0x2f: {  	s30 =	sld [smem:$0x0];
	_ =	sdelay $0x2  }
0x30: {  	s31 =	sshll.u32 s1, $0xD;
	s1 =	sshrl.u32 s1, $0x2  }
0x31: {  	s3 =	sand.u32 $0x4000, s31;
	s1 =	sadd.s32 s1, s30  }
0x32: {  	s0 =	sor.u32 s3, s0;
	s1 =	sshll.u32 s1, $0x11  }
0x33: {  	s0 =	sor.u32 s1, s0  }
0x34: {  	s0 =	sadd.s32 $0x8F2B, s0  }
0x35: {  	[sflag:s0] =	ssyncadd.remote.s32 $0x1  }
0x36: {  	_ =	sfence.sel $0xFFFF  }
0x37: {  	[dreg:$0x0] =	wrdreg $0xFFFFFFFF;
	(pc) =	sbr.abs _section_cstart, $3  }
0x38: {  	[dreg:$0x1] =	wrdreg $0xFFFFFFFF  }
0x39: {  	_ =	task.clear_ibuf [dreg:s7], $0x2FFFF;
	_ =	strace $0x9FFFFFFF  }
0x3a: {  	(tm) =	ssettm $0x7FFFFFFF  }
0x3b: {  	_ =	shalt  }
tec
execute0_lowered:
.L_overlay_start_1:
0x0: {  	(tag) =	ssettag $0x1  }
0x1: {  	s0 =	srdreg.scid  }
0x2: {  	s1 =	sshll.u32 s0, $0x4  }
0x3: {  	s0 =	stileid.u32;
	s1 =	sand.u32 $0x10, s1  }
0x4: {  	s1 =	sor.u32 s0, s1  }
0x5: {  	s6 =	rddreg [dreg:$0x0];
	s4 =	simm.s32 $0x1;
	s2 =	sshll.u32 s1, $0x7  }
0x6: {  	s7 =	simm.s32 $0x2;
	s12 =	simm.s32 $0x0;
	s1 =	ssub.s32 $0x1000, s2  }
0x7: {  	s8 =	simm.s32 $0x8000;
	s13 =	simm.s32 $0x0;
	s3 =	sand.u32 $0xF80, s1  }
0x8: {  	s9 =	simm.s32 $0x0;
	s5 =	sshrl.u32 s1, $0xC;
	p0 =	sne.s32 s3, $0x0  }
.Ltmp0:
0x9: {  	s1 =	rddreg [dreg:$0x2];
	s4 =	simm.s32 @!p0 $0x0;
	(pc) =	sbr.rel .LBB1_1-.Ltmp0, $4  }
0xa: {  	s11 =	simm.s32 $0x0;
	s3 =	rddreg [dreg:$0x1];
	s5 =	sadd.s32 s4, s5  }
0xb: {  	_ =	strace $0x8000004A;
	s4 =	simm.s32 $0x1;
	s5 =	smul.u32 $0xC8, s5  }
0xc: {  	s6 =	sadd.s32 $0xA00, s6;
	s10 =	smov.u32 s2;
	[sflag:s4] =	ssyncpa.u1 $0x0  }
0xd: {  	p0 =	por $0x0, $0x0;
	[sflag:s7] =	ssyncpa.u1 $0x0;
	s7 =	sor.u32 $0x1, s5  }
.LBB1_4:
0xe: {  	s16 =	sshll.u32 s13, $0x3;
	s17 =	sand.u32 $0x78, s13  }
0xf: {  	s30 =	sand.u32 $0x7E00, s13;
	s12 =	sshll.u32 s12, $0xF;
	s16 =	sand.u32 $0xC00, s16  }
0x10: {  	[tilespmem:s15+$0x810 ss:$0x81] =	vst.msk $0xffff, v2;
	s31 =	sand.u32 $0x7, s13;
	s16 =	sor.u32 s17, s16;
	s17 =	sadd.s32 s3, s30  }
0x11: {  	[tilespmem:s15+$0x1020 ss:$0x81] =	vst.msk $0xffff, v0;
	s13 =	sshll.u32 s31, $0x12;
	s12 =	sadd.s32 s12, s17;
	s16 =	sshrl.u32 s16, $0x3  }
0x12: {  	[tilespmem:s15+$0x0 ss:$0x81] =	vst.msk $0xffff, v1;
	s13 =	sor.u32 $0x400, s13;
	s12 =	sadd.s32 s16, s12  }
0x13: {  	[hbm4b:s12+s13] =	stream.strided.scatter [tilespmem:s14], [sflag:$0x2], $0x2000, s8, s13, $0x20;
	[tilespmem:$0x8080] =	vst v63  }
.LBB1_5:
0x14: {  	s14 =	sadd.s32 $0x1, s9  }
0x15: {  	s12 =	sadd.s32 $0x1000, s10;
	s16 =	smov.u32 s10;
	p2 =	sgt.s32 s14, $0xC7  }
0x16: {  	s16 =	smov.u32 @p2 s12  }
0x17: {  	s14 =	simm.s32 @p2 $0x0;
	p2 =	sgt.s32 s16, $0xFFF  }
0x18: {  	s16 =	smov.u32 @p2 s2;
	p2 =	sne.s32 s11, s7  }
.Ltmp1:
0x19: {  	p1 =	slt.u32 s11, $0x2;
	(pc) =	sbr.rel @!p2 .LBB1_6-.Ltmp1, $4  }
0x1a: {  	s15 =	simm.s32 @!p1 $0x2  }
0x1b: {  	s13 =	smov.u32 s10;
	p0 =	por !p0, !p0;
	_ =	swait.ge @!p1 [sflag:s15], $0x2000  }
0x1c: {  	s12 =	smov.u32 s9;
	[sflag:s15] =	ssyncset.done @!p1 $0x0;
	s9 =	smov.u32 s14  }
0x1d: {  	s11 =	sadd.s32 $0x1, s11;
	[sflag:s15] =	ssyncadd.s32 @!p1 $0xFFFFE000;
	s10 =	smov.u32 s16  }
.LBB1_1:
0x1e: {  	p1 =	sge.u32 s11, s5  }
0x1f: {  	s14 =	sand.u32 @!p1 $0x1FFFFFF, s9  }
0x20: {  	s15 =	smulhi.u32 @!p1 $0x147AE15, s14;
	_ =	sdelay $0x1  }
0x21: {  	s15 =	smul.u32 @!p1 $0xC8, s15  }
0x22: {  	s16 =	sxor.u32 @!p1 $0xFFFFFFFF, s11;
	s17 =	smul.u32 @!p1 $0xC80, s10  }
0x23: {  	s31 =	sadd.s32 $0xFFFFFFFF, s11;
	s16 =	sshll.u32 @!p1 s16, $0xD;
	s14 =	ssub.s32 @!p1 s14, s15  }
0x24: {  	s15 =	sand.u32 @!p1 $0x2000, s16;
	s16 =	sadd.s32 @!p1 s6, s17;
	s14 =	sshll.u32 @!p1 s14, $0x4  }
0x25: {  	s17 =	simm.s32 @!p1 $0x6400;
	s14 =	sadd.s32 @!p1 s14, s16;
	s16 =	simm.s32 @!p1 $0x40  }
0x26: {  	[tilespmem:s15], [sflag:$0x1] =	stream.strided.gather @!p1 [hbm4b:s14+s16], $0x2000, s17, s16, $0x38;
	[tilespmem:$0x8080] =	vst v63  }
0x27: {  	p1 =	sge.u32 s31, s5  }
.Ltmp2:
0x28: {  	_ = 	snop;
	(pc) =	sbr.rel @p1 .LBB1_5-.Ltmp2, $1  }
0x29: {  	_ =	sdelay $0x3  }
0x2a: {  	s14 =	simm.s32 $0x1  }
0x2b: {  	_ =	swait.ge [sflag:s4], $0x2000;
	s14 =	simm.s32 @!p0 $0x0  }
0x2c: {  	[sflag:s4] =	ssyncset.done $0x0;
	s15 =	sshll.u32 s14, $0xD  }
0x2d: {  	[sflag:s4] =	ssyncadd.s32 $0xFFFFE000;
	s18 =	sor.u32 $0x20, s15  }
0x2e: {  	s14 =	smul.u32 $0x8100, s14;
	v3 =	vld [tilespmem:s18+$0x10]  }
0x2f: {  	s30 =	sand.u32 $0x1, s11;
	v2 =	vld [tilespmem:s18+$0xFFFFFFF0]  }
0x30: {  	s15 =	smul.u32 $0x8100, s30;
	s14 =	sshrl.u32 s14, $0x2;
	v0 =	vld [tilespmem:s18+$0x0]  }
0x31: {  	v1 =	vld [tilespmem:s18+$0xFFFFFFE0];
	s16 =	sor.u32 $0x4000, s14  }
0x32: {  	s31 =	sshrl.u32 s15, $0x2;
	s15 =	sadd.s32 $0x0, s16  }
0x33: {  	s17 =	simm.s32 $0x4;
	s18 =	sadd.s32 $0x40, s18;
	s14 =	sor.u32 $0x4000, s31;
	[tilespmem:s15+$0x1830 ss:$0x81] =	vst.msk $0xffff, v3  }
.LBB1_3:
0x34: {  	v3 =	vld [tilespmem:s18+$0x10];
	p1 =	sne.s32 s17, $0x1FC;
	[tilespmem:s15+$0x810 ss:$0x81] =	vst.msk $0xffff, v2;
	s19 =	smov.u32 s17;
	s17 =	sadd.s32 $0x4, s17  }
.Ltmp3:
0x35: {  	v2 =	vld [tilespmem:s18+$0xFFFFFFF0];
	[tilespmem:s15+$0x1020 ss:$0x81] =	vst.msk $0xffff, v0;
	(pc) =	sbr.rel @p1 .LBB1_3-.Ltmp3, $4  }
0x36: {  	v0 =	vld [tilespmem:s18+$0x0];
	[tilespmem:s15+$0x0 ss:$0x81] =	vst.msk $0xffff, v1  }
0x37: {  	s15 =	sshra.s32 s19, $0x2;
	v1 =	vld [tilespmem:s18+$0xFFFFFFE0]  }
0x38: {  	s15 =	sadd.s32 s15, s16  }
0x39: {  	s18 =	sadd.s32 $0x40, s18;
	[tilespmem:s15+$0x1830 ss:$0x81] =	vst.msk $0xffff, v3  }
.Ltmp4:
0x3a: {  	_ = 	snop;
	(pc) =	sbr.rel .LBB1_4-.Ltmp4, $1  }
0x3b: {  	_ =	sdelay $0x3  }
.LBB1_6:
0x3c: {  	_ =	sfence.sel $0x180000  }
0x3d: {  	s2 =	simm.s32 $0x1;
	[bflag:$0x0] =	sbarrier.arrive $0xFFFF  }
0x3e: {  	s31 =	simm.s32 $0x2;
	[sflag:s2] =	ssyncpa.u1 $0x1  }
0x3f: {  	[sflag:s31] =	ssyncpa.u1 $0x1  }
0x40: {  	p0 =	sne.s32 s0, $0x0;
	_ =	strace $0x9000004A  }
0x41: {  	s0 =	sadd.s32 @!p0 $0x100000, s1;
	[bflag:$0x2] =	sbarrier.arrive $0xFFFF  }
0x42: {  	[sflag:s0] =	ssyncadd.tile.s32 @!p0 $0x1;
	_ =	shalt  }
.Lfunc_end1:
_tile_overlayer_lowered:
.L_overlay_start_2:
0x43: {  	(tag) =	ssettag $0x2  }
0x44: {  	s0 =	rddreg [dreg:$0x0];
	s2 =	stileid.u32  }
0x45: {  	s1 =	rddreg [dreg:$0x1];
	p0 =	sne.s32 s2, $0x0  }
0x46: {  	s3 =	rddreg [dreg:$0x2];
	[bflag:$0x3] =	sbarrier.arrive $0xFFFF;
	s2 =	simm.s32 @!p0 $0x1C01  }
0x47: {  	[timem:s3], [sflag:s2] =	dma.local @!p0 [hbm:s0], s1  }
0x48: {  	s0 =	simm.s32 @!p0 $0x1  }
0x49: {  	_ =	swait.ge @!p0 [sflag:s0], s1  }
0x4a: {  	s1 =	ssub.s32 @!p0 $0x0, s1;
	[sflag:s0] =	ssyncset.done @!p0 $0x0  }
0x4b: {  	[sflag:s0] =	ssyncadd.s32 @!p0 s1  }
0x4c: {  	[bflag:$0x3] =	sbarrier.arrive $0xFFFF  }
0x4d: {  	_ =	shalt  }

</sc_bundles>
